<compile_context>
chip_gen: v7x
topology: tpu7x:2x2x1
jax: 0.10.2.dev20260603
libtpu: 0.0.44.dev20260713+nightly
codegen_flags: <defaults>
</compile_context>

<pallas_src>
import functools

import numpy as np
import jax
import jax.numpy as jnp
from jax import lax
from jax.experimental import pallas as pl
from jax.experimental.pallas import tpu as pltpu
from jax.experimental.pallas import tpu_sc as plsc

_N = 1048576
_C = 128
_NBINS = 15
_R2 = 16384
_G2 = _N // _R2
_SB = _R2 // _C
_NC = 2
_NS = 16
_NW = _NC * _NS
_CH = _N // _NW
_L = 16

_BOUNDS = [float(b) for b in np.linspace(0.0, 1.0, _NBINS + 1).astype(np.float32)]


def _tc_body(probs_ref, labels_ref, conf_ref, corr_ref):
    x = probs_ref[0]
    lab = labels_ref[0]
    iota = lax.broadcasted_iota(jnp.int32, (_SB, _C, _C), 2)
    xi = lax.bitcast_convert_type(x, jnp.int32)
    key = (xi & -128) | (127 - iota)
    final = jnp.max(key, axis=2)

    pred = 127 - (final & 127)
    corr_ref[0] = jnp.where(pred == lab, 1.0, 0.0)
    conf_ref[0] = lax.bitcast_convert_type((final & -128) | 64, jnp.float32)


_tc_call = pl.pallas_call(
    _tc_body,
    grid=(_G2,),
    in_specs=[
        pl.BlockSpec((1, _SB, _C, _C), lambda i: (i, 0, 0, 0)),
        pl.BlockSpec((1, _SB, _C), lambda i: (i, 0, 0)),
    ],
    out_specs=[
        pl.BlockSpec((1, _SB, _C), lambda i: (i, 0, 0)),
        pl.BlockSpec((1, _SB, _C), lambda i: (i, 0, 0)),
    ],
    out_shape=[
        jax.ShapeDtypeStruct((_G2, _SB, _C), jnp.float32),
        jax.ShapeDtypeStruct((_G2, _SB, _C), jnp.float32),
    ],
    compiler_params=pltpu.CompilerParams(
        dimension_semantics=("arbitrary",),
    ),
)


_PACK = float(2.0 ** -12)


def _sc_hist_body(conf_hbm, corr_hbm, out_hbm, conf_v, corr_v, pk_h, cs_h):
    wid = lax.axis_index("s") * _NC + lax.axis_index("c")
    base = wid * _CH
    pltpu.sync_copy(conf_hbm.at[pl.ds(base, _CH)], conf_v)
    pltpu.sync_copy(corr_hbm.at[pl.ds(base, _CH)], corr_v)

    zeros16 = jnp.zeros((_L,), jnp.float32)
    nrows = _NBINS - 1

    def body(i, carry):
        pks, css, cs_tot, as_tot = carry
        off = i * _L
        c = conf_v[pl.ds(off, _L)]
        a = corr_v[pl.ds(off, _L)]
        t = a * _PACK + 1.0
        new_pks = []
        new_css = []
        for j in range(1, _NBINS):
            m = c > _BOUNDS[j]
            new_pks.append(pks[j - 1] + jnp.where(m, t, 0.0))
            new_css.append(css[j - 1] + jnp.where(m, c, 0.0))
        return (tuple(new_pks), tuple(new_css), cs_tot + c, as_tot + a)

    init = (tuple(zeros16 for _ in range(nrows)),
            tuple(zeros16 for _ in range(nrows)), zeros16, zeros16)
    pks, css, cs_tot, as_tot = lax.fori_loop(0, _CH // _L, body, init)

    pk_h[0, :] = as_tot
    cs_h[0, :] = cs_tot
    for j in range(1, _NBINS):
        pk_h[j, :] = pks[j - 1]
        cs_h[j, :] = css[j - 1]
    pk_h[_NBINS, :] = zeros16
    cs_h[_NBINS, :] = zeros16

    pltpu.sync_copy(pk_h, out_hbm.at[wid, 0])
    pltpu.sync_copy(cs_h, out_hbm.at[wid, 1])


@functools.lru_cache(maxsize=1)
def _make_sc_hist():
    return pl.kernel(
        _sc_hist_body,
        mesh=plsc.VectorSubcoreMesh(core_axis_name="c", subcore_axis_name="s"),
        out_type=jax.ShapeDtypeStruct((_NW, 2, _L, _L), jnp.float32),
        scratch_types=[
            pltpu.VMEM((_CH,), jnp.float32),
            pltpu.VMEM((_CH,), jnp.float32),
            pltpu.VMEM((_L, _L), jnp.float32),
            pltpu.VMEM((_L, _L), jnp.float32),
        ],
    )


def kernel(probs, labels):
    probs4 = probs.reshape(_G2, _SB, _C, _C)
    labels4 = labels.reshape(_G2, _SB, _C)
    conf, corr = _tc_call(probs4, labels4)
    parts = _make_sc_hist()(conf.reshape(_N), corr.reshape(_N))
    pk = parts[:, 0]
    cs = parts[:, 1]
    cnt_rows = jnp.floor(pk)
    acc_rows = (pk - cnt_rows) * 4096.0
    cnt_cum = jnp.sum(cnt_rows, axis=(0, 2))
    acc_cum = jnp.sum(acc_rows, axis=(0, 2))
    cs_cum = jnp.sum(cs, axis=(0, 2))
    cnt_cum = cnt_cum.at[0].set(float(_N))
    acc_cum = acc_cum.at[0].set(jnp.sum(parts[:, 0, 0, :]))
    cs_cum = cs_cum.at[0].set(jnp.sum(parts[:, 1, 0, :]))
    counts = cnt_cum[:_NBINS] - cnt_cum[1:_NBINS + 1]
    conf_sum = cs_cum[:_NBINS] - cs_cum[1:_NBINS + 1]
    acc_sum = acc_cum[:_NBINS] - acc_cum[1:_NBINS + 1]
    denom = jnp.maximum(counts, 1.0)
    per_bin = jnp.where(counts > 0,
                        jnp.abs(conf_sum / denom - acc_sum / denom)
                        * (counts / _N), 0.0)
    return jnp.sum(per_bin).reshape(1)

# --- scband reference (transcript-rebuilt; emitter-appended) ---
"""Pipeline reference for scband-eceloss-19748259627502 (READ-ONLY COPY).

The authoritative reference and input builder live on the scoring server;
editing this copy changes nothing except your own understanding.
"""

import jax, jax.numpy as jnp
import numpy as np

N_BINS = 15
N = 1048576
C = 128


def setup_inputs(seed: int = 0) -> dict:
    key = jax.random.key(seed)
    k1, k2 = jax.random.split(key)
    probs = jax.random.uniform(k1, (N, C), dtype=jnp.float32)
    labels = jax.random.randint(k2, (N,), 0, C, dtype=jnp.int32)
    return {"probs": probs, "labels": labels}


def reference(probs, labels):
    # ECELoss.forward with is_logit=False
    boundaries = jnp.linspace(0.0, 1.0, N_BINS + 1)
    confidences = jnp.max(probs, axis=1)
    predictions = jnp.argmax(probs, axis=1)
    correct = (predictions == labels.astype(predictions.dtype)).astype(jnp.float32)
    # torch loop: in_bin = conf > lower AND conf <= upper  ->  bin index via searchsorted(left)-1
    bin_idx = jnp.clip(
        jnp.searchsorted(boundaries, confidences, side='left') - 1, 0, N_BINS - 1
    )
    ones = jnp.ones_like(confidences)
    counts = jax.ops.segment_sum(ones, bin_idx, num_segments=N_BINS)
    conf_sum = jax.ops.segment_sum(confidences, bin_idx, num_segments=N_BINS)
    acc_sum = jax.ops.segment_sum(correct, bin_idx, num_segments=N_BINS)
    n_total = confidences.shape[0]
    prop_in_bin = counts / n_total
    nonempty = counts > 0
    denom = jnp.maximum(counts, 1.0)
    avg_conf = conf_sum / denom
    acc = acc_sum / denom
    per_bin = jnp.where(nonempty, jnp.abs(avg_conf - acc) * prop_in_bin, 0.0)
    ece = jnp.sum(per_bin)
    return ece.reshape(1)

if __name__ == "__main__":
    import jax
    _d = setup_inputs()
    print(jax.jit(kernel)(*tuple(_d.values())))

</pallas_src>

<mosaic_0001>
#map = affine_map<(d0, d1) -> (0)>
#map1 = affine_map<(d0, d1) -> (0, 0, 0, 0)>
module attributes {stable_mosaic.version = 14 : i64} {
  func.func @_sc_hist_body(%arg0: i32, %arg1: i32, %arg2: memref<1048576xf32, #tpu.memory_space<hbm>>, %arg3: memref<1048576xf32, #tpu.memory_space<hbm>>, %arg4: memref<32x2x16x16xf32, #tpu.memory_space<hbm>>, %arg5: memref<32768xf32, #tpu.memory_space<vmem>>, %arg6: memref<32768xf32, #tpu.memory_space<vmem>>, %arg7: memref<16x16xf32, #tpu.memory_space<vmem>>, %arg8: memref<16x16xf32, #tpu.memory_space<vmem>>) attributes {dimension_semantics = [#tpu.dimension_semantics<core_parallel>, #tpu.dimension_semantics<subcore_parallel>], iteration_bounds = array<i64: 2, 16>, scalar_prefetch = 0 : i64, scratch_operands = 4 : i64, tpu.core_type = #tpu.core_type<sc_vector_subcore>, window_params = [{transform_indices = #map}, {transform_indices = #map}, {transform_indices = #map1}]} {
    %mul3A = arith.constant 2 : i32
    %mul3A_0 = arith.muli %arg1, %mul3A : i32
    %add3A = arith.addi %mul3A_0, %arg0 : i32
    %mul3A_1 = arith.constant 32768 : i32
    %mul3A_2 = arith.muli %add3A, %mul3A_1 : i32
    "tpu.region"() ({
      %run_scoped3A_201 = tpu.sem_alloc : memref<!tpu.dma_semaphore, #tpu.memory_space<semaphore_mem>>
      %dma_start3A = tpu.memref_slice %arg2[%mul3A_2] : memref<1048576xf32, #tpu.memory_space<hbm>> -> memref<32768xf32, #tpu.memory_space<hbm>>
      %dma_start3A_202 = tpu.memref_slice %arg2[%mul3A_2] : memref<1048576xf32, #tpu.memory_space<hbm>> -> memref<32768xf32, #tpu.memory_space<hbm>>
      tpu.enqueue_dma source(%dma_start3A_202 : memref<32768xf32, #tpu.memory_space<hbm>>) target(%arg5 : memref<32768xf32, #tpu.memory_space<vmem>>) target_semaphore(%run_scoped3A_201 : memref<!tpu.dma_semaphore, #tpu.memory_space<semaphore_mem>>)
      %dma_wait3A = tpu.memref_slice %arg2[%mul3A_2] : memref<1048576xf32, #tpu.memory_space<hbm>> -> memref<32768xf32, #tpu.memory_space<hbm>>
      %dma_wait3A_203 = tpu.memref_slice %arg2[%mul3A_2] : memref<1048576xf32, #tpu.memory_space<hbm>> -> memref<32768xf32, #tpu.memory_space<hbm>>
      tpu.wait_dma2 semaphore(%run_scoped3A_201 : memref<!tpu.dma_semaphore, #tpu.memory_space<semaphore_mem>>) src(%dma_wait3A_203 : memref<32768xf32, #tpu.memory_space<hbm>>) dst(%arg5 : memref<32768xf32, #tpu.memory_space<vmem>>)
      tpu.yield
    }) : () -> ()
    "tpu.region"() ({
      %run_scoped3A_201 = tpu.sem_alloc : memref<!tpu.dma_semaphore, #tpu.memory_space<semaphore_mem>>
      %dma_start3A = tpu.memref_slice %arg3[%mul3A_2] : memref<1048576xf32, #tpu.memory_space<hbm>> -> memref<32768xf32, #tpu.memory_space<hbm>>
      %dma_start3A_202 = tpu.memref_slice %arg3[%mul3A_2] : memref<1048576xf32, #tpu.memory_space<hbm>> -> memref<32768xf32, #tpu.memory_space<hbm>>
      tpu.enqueue_dma source(%dma_start3A_202 : memref<32768xf32, #tpu.memory_space<hbm>>) target(%arg6 : memref<32768xf32, #tpu.memory_space<vmem>>) target_semaphore(%run_scoped3A_201 : memref<!tpu.dma_semaphore, #tpu.memory_space<semaphore_mem>>)
      %dma_wait3A = tpu.memref_slice %arg3[%mul3A_2] : memref<1048576xf32, #tpu.memory_space<hbm>> -> memref<32768xf32, #tpu.memory_space<hbm>>
      %dma_wait3A_203 = tpu.memref_slice %arg3[%mul3A_2] : memref<1048576xf32, #tpu.memory_space<hbm>> -> memref<32768xf32, #tpu.memory_space<hbm>>
      tpu.wait_dma2 semaphore(%run_scoped3A_201 : memref<!tpu.dma_semaphore, #tpu.memory_space<semaphore_mem>>) src(%dma_wait3A_203 : memref<32768xf32, #tpu.memory_space<hbm>>) dst(%arg6 : memref<32768xf32, #tpu.memory_space<vmem>>)
      tpu.yield
    }) : () -> ()
    %broadcast_in_dim3A = arith.constant 0.000000e+00 : f32
    %broadcast_in_dim3A_3 = vector.broadcast %broadcast_in_dim3A : f32 to vector<16xf32>
    %scan3A = arith.constant 0 : i32
    %scan3A_4 = arith.constant 2048 : i32
    %scan3A_5 = arith.addi %scan3A, %scan3A_4 : i32
    %scan3A_6 = arith.constant 1 : i32
    %scan3A_7:30 = scf.for %scan3A_201 = %scan3A to %scan3A_5 step %scan3A_6 iter_args(%scan3A_202 = %broadcast_in_dim3A_3, %scan3A_203 = %broadcast_in_dim3A_3, %scan3A_204 = %broadcast_in_dim3A_3, %scan3A_205 = %broadcast_in_dim3A_3, %scan3A_206 = %broadcast_in_dim3A_3, %scan3A_207 = %broadcast_in_dim3A_3, %scan3A_208 = %broadcast_in_dim3A_3, %scan3A_209 = %broadcast_in_dim3A_3, %scan3A_210 = %broadcast_in_dim3A_3, %scan3A_211 = %broadcast_in_dim3A_3, %scan3A_212 = %broadcast_in_dim3A_3, %scan3A_213 = %broadcast_in_dim3A_3, %scan3A_214 = %broadcast_in_dim3A_3, %scan3A_215 = %broadcast_in_dim3A_3, %scan3A_216 = %broadcast_in_dim3A_3, %scan3A_217 = %broadcast_in_dim3A_3, %scan3A_218 = %broadcast_in_dim3A_3, %scan3A_219 = %broadcast_in_dim3A_3, %scan3A_220 = %broadcast_in_dim3A_3, %scan3A_221 = %broadcast_in_dim3A_3, %scan3A_222 = %broadcast_in_dim3A_3, %scan3A_223 = %broadcast_in_dim3A_3, %scan3A_224 = %broadcast_in_dim3A_3, %scan3A_225 = %broadcast_in_dim3A_3, %scan3A_226 = %broadcast_in_dim3A_3, %scan3A_227 = %broadcast_in_dim3A_3, %scan3A_228 = %broadcast_in_dim3A_3, %scan3A_229 = %broadcast_in_dim3A_3, %scan3A_230 = %broadcast_in_dim3A_3, %scan3A_231 = %broadcast_in_dim3A_3) -> (vector<16xf32>, vector<16xf32>, vector<16xf32>, vector<16xf32>, vector<16xf32>, vector<16xf32>, vector<16xf32>, vector<16xf32>, vector<16xf32>, vector<16xf32>, vector<16xf32>, vector<16xf32>, vector<16xf32>, vector<16xf32>, vector<16xf32>, vector<16xf32>, vector<16xf32>, vector<16xf32>, vector<16xf32>, vector<16xf32>, vector<16xf32>, vector<16xf32>, vector<16xf32>, vector<16xf32>, vector<16xf32>, vector<16xf32>, vector<16xf32>, vector<16xf32>, vector<16xf32>, vector<16xf32>)  : i32 {
      %mul3A_232 = arith.constant 16 : i32
      %mul3A_233 = arith.muli %scan3A_201, %mul3A_232 : i32
      %get3A = arith.index_cast %mul3A_233 : i32 to index
      %get3A_234 = tpu.vector_load %arg5[%get3A] {strides = array<i32>} : memref<32768xf32, #tpu.memory_space<vmem>>, vector<16xf32>,
      %get3A_235 = vector.shape_cast %get3A_234 : vector<16xf32> to vector<16xf32>
      %get3A_236 = arith.index_cast %mul3A_233 : i32 to index
      %get3A_237 = tpu.vector_load %arg6[%get3A_236] {strides = array<i32>} : memref<32768xf32, #tpu.memory_space<vmem>>, vector<16xf32>,
      %get3A_238 = vector.shape_cast %get3A_237 : vector<16xf32> to vector<16xf32>
      %mul3A_239 = arith.constant 2.44140625E-4 : f32
      %mul3A_240 = vector.broadcast %mul3A_239 : f32 to vector<16xf32>
      %mul3A_241 = arith.mulf %get3A_238, %mul3A_240 : vector<16xf32>
      %add3A_242 = arith.constant 1.000000e+00 : f32
      %add3A_243 = vector.broadcast %add3A_242 : f32 to vector<16xf32>
      %add3A_244 = arith.addf %mul3A_241, %add3A_243 : vector<16xf32>
      %gt3A = arith.constant 0.0666666701 : f32
      %gt3A_245 = vector.broadcast %gt3A : f32 to vector<16xf32>
      %gt3A_246 = arith.cmpf ogt, %get3A_235, %gt3A_245 : vector<16xf32>
      %jit3A = arith.constant 0.000000e+00 : f32
      %broadcast_in_dim3A_247 = vector.broadcast %jit3A : f32 to vector<16xf32>
      %select_n3A = arith.select %gt3A_246, %add3A_244, %broadcast_in_dim3A_247 : vector<16xi1>, vector<16xf32>
      %add3A_248 = arith.addf %scan3A_202, %select_n3A : vector<16xf32>
      %jit3A_249 = arith.constant 0.000000e+00 : f32
      %broadcast_in_dim3A_250 = vector.broadcast %jit3A_249 : f32 to vector<16xf32>
      %select_n3A_251 = arith.select %gt3A_246, %get3A_235, %broadcast_in_dim3A_250 : vector<16xi1>, vector<16xf32>
      %add3A_252 = arith.addf %scan3A_216, %select_n3A_251 : vector<16xf32>
      %gt3A_253 = arith.constant 0.13333334 : f32
      %gt3A_254 = vector.broadcast %gt3A_253 : f32 to vector<16xf32>
      %gt3A_255 = arith.cmpf ogt, %get3A_235, %gt3A_254 : vector<16xf32>
      %jit3A_256 = arith.constant 0.000000e+00 : f32
      %broadcast_in_dim3A_257 = vector.broadcast %jit3A_256 : f32 to vector<16xf32>
      %select_n3A_258 = arith.select %gt3A_255, %add3A_244, %broadcast_in_dim3A_257 : vector<16xi1>, vector<16xf32>
      %add3A_259 = arith.addf %scan3A_203, %select_n3A_258 : vector<16xf32>
      %jit3A_260 = arith.constant 0.000000e+00 : f32
      %broadcast_in_dim3A_261 = vector.broadcast %jit3A_260 : f32 to vector<16xf32>
      %select_n3A_262 = arith.select %gt3A_255, %get3A_235, %broadcast_in_dim3A_261 : vector<16xi1>, vector<16xf32>
      %add3A_263 = arith.addf %scan3A_217, %select_n3A_262 : vector<16xf32>
      %gt3A_264 = arith.constant 2.000000e-01 : f32
      %gt3A_265 = vector.broadcast %gt3A_264 : f32 to vector<16xf32>
      %gt3A_266 = arith.cmpf ogt, %get3A_235, %gt3A_265 : vector<16xf32>
      %jit3A_267 = arith.constant 0.000000e+00 : f32
      %broadcast_in_dim3A_268 = vector.broadcast %jit3A_267 : f32 to vector<16xf32>
      %select_n3A_269 = arith.select %gt3A_266, %add3A_244, %broadcast_in_dim3A_268 : vector<16xi1>, vector<16xf32>
      %add3A_270 = arith.addf %scan3A_204, %select_n3A_269 : vector<16xf32>
      %jit3A_271 = arith.constant 0.000000e+00 : f32
      %broadcast_in_dim3A_272 = vector.broadcast %jit3A_271 : f32 to vector<16xf32>
      %select_n3A_273 = arith.select %gt3A_266, %get3A_235, %broadcast_in_dim3A_272 : vector<16xi1>, vector<16xf32>
      %add3A_274 = arith.addf %scan3A_218, %select_n3A_273 : vector<16xf32>
      %gt3A_275 = arith.constant 0.266666681 : f32
      %gt3A_276 = vector.broadcast %gt3A_275 : f32 to vector<16xf32>
      %gt3A_277 = arith.cmpf ogt, %get3A_235, %gt3A_276 : vector<16xf32>
      %jit3A_278 = arith.constant 0.000000e+00 : f32
      %broadcast_in_dim3A_279 = vector.broadcast %jit3A_278 : f32 to vector<16xf32>
      %select_n3A_280 = arith.select %gt3A_277, %add3A_244, %broadcast_in_dim3A_279 : vector<16xi1>, vector<16xf32>
      %add3A_281 = arith.addf %scan3A_205, %select_n3A_280 : vector<16xf32>
      %jit3A_282 = arith.constant 0.000000e+00 : f32
      %broadcast_in_dim3A_283 = vector.broadcast %jit3A_282 : f32 to vector<16xf32>
      %select_n3A_284 = arith.select %gt3A_277, %get3A_235, %broadcast_in_dim3A_283 : vector<16xi1>, vector<16xf32>
      %add3A_285 = arith.addf %scan3A_219, %select_n3A_284 : vector<16xf32>
      %gt3A_286 = arith.constant 0.333333343 : f32
      %gt3A_287 = vector.broadcast %gt3A_286 : f32 to vector<16xf32>
      %gt3A_288 = arith.cmpf ogt, %get3A_235, %gt3A_287 : vector<16xf32>
      %jit3A_289 = arith.constant 0.000000e+00 : f32
      %broadcast_in_dim3A_290 = vector.broadcast %jit3A_289 : f32 to vector<16xf32>
      %select_n3A_291 = arith.select %gt3A_288, %add3A_244, %broadcast_in_dim3A_290 : vector<16xi1>, vector<16xf32>
      %add3A_292 = arith.addf %scan3A_206, %select_n3A_291 : vector<16xf32>
      %jit3A_293 = arith.constant 0.000000e+00 : f32
      %broadcast_in_dim3A_294 = vector.broadcast %jit3A_293 : f32 to vector<16xf32>
      %select_n3A_295 = arith.select %gt3A_288, %get3A_235, %broadcast_in_dim3A_294 : vector<16xi1>, vector<16xf32>
      %add3A_296 = arith.addf %scan3A_220, %select_n3A_295 : vector<16xf32>
      %gt3A_297 = arith.constant 4.000000e-01 : f32
      %gt3A_298 = vector.broadcast %gt3A_297 : f32 to vector<16xf32>
      %gt3A_299 = arith.cmpf ogt, %get3A_235, %gt3A_298 : vector<16xf32>
      %jit3A_300 = arith.constant 0.000000e+00 : f32
      %broadcast_in_dim3A_301 = vector.broadcast %jit3A_300 : f32 to vector<16xf32>
      %select_n3A_302 = arith.select %gt3A_299, %add3A_244, %broadcast_in_dim3A_301 : vector<16xi1>, vector<16xf32>
      %add3A_303 = arith.addf %scan3A_207, %select_n3A_302 : vector<16xf32>
      %jit3A_304 = arith.constant 0.000000e+00 : f32
      %broadcast_in_dim3A_305 = vector.broadcast %jit3A_304 : f32 to vector<16xf32>
      %select_n3A_306 = arith.select %gt3A_299, %get3A_235, %broadcast_in_dim3A_305 : vector<16xi1>, vector<16xf32>
      %add3A_307 = arith.addf %scan3A_221, %select_n3A_306 : vector<16xf32>
      %gt3A_308 = arith.constant 0.466666669 : f32
      %gt3A_309 = vector.broadcast %gt3A_308 : f32 to vector<16xf32>
      %gt3A_310 = arith.cmpf ogt, %get3A_235, %gt3A_309 : vector<16xf32>
      %jit3A_311 = arith.constant 0.000000e+00 : f32
      %broadcast_in_dim3A_312 = vector.broadcast %jit3A_311 : f32 to vector<16xf32>
      %select_n3A_313 = arith.select %gt3A_310, %add3A_244, %broadcast_in_dim3A_312 : vector<16xi1>, vector<16xf32>
      %add3A_314 = arith.addf %scan3A_208, %select_n3A_313 : vector<16xf32>
      %jit3A_315 = arith.constant 0.000000e+00 : f32
      %broadcast_in_dim3A_316 = vector.broadcast %jit3A_315 : f32 to vector<16xf32>
      %select_n3A_317 = arith.select %gt3A_310, %get3A_235, %broadcast_in_dim3A_316 : vector<16xi1>, vector<16xf32>
      %add3A_318 = arith.addf %scan3A_222, %select_n3A_317 : vector<16xf32>
      %gt3A_319 = arith.constant 0.533333361 : f32
      %gt3A_320 = vector.broadcast %gt3A_319 : f32 to vector<16xf32>
      %gt3A_321 = arith.cmpf ogt, %get3A_235, %gt3A_320 : vector<16xf32>
      %jit3A_322 = arith.constant 0.000000e+00 : f32
      %broadcast_in_dim3A_323 = vector.broadcast %jit3A_322 : f32 to vector<16xf32>
      %select_n3A_324 = arith.select %gt3A_321, %add3A_244, %broadcast_in_dim3A_323 : vector<16xi1>, vector<16xf32>
      %add3A_325 = arith.addf %scan3A_209, %select_n3A_324 : vector<16xf32>
      %jit3A_326 = arith.constant 0.000000e+00 : f32
      %broadcast_in_dim3A_327 = vector.broadcast %jit3A_326 : f32 to vector<16xf32>
      %select_n3A_328 = arith.select %gt3A_321, %get3A_235, %broadcast_in_dim3A_327 : vector<16xi1>, vector<16xf32>
      %add3A_329 = arith.addf %scan3A_223, %select_n3A_328 : vector<16xf32>
      %gt3A_330 = arith.constant 6.000000e-01 : f32
      %gt3A_331 = vector.broadcast %gt3A_330 : f32 to vector<16xf32>
      %gt3A_332 = arith.cmpf ogt, %get3A_235, %gt3A_331 : vector<16xf32>
      %jit3A_333 = arith.constant 0.000000e+00 : f32
      %broadcast_in_dim3A_334 = vector.broadcast %jit3A_333 : f32 to vector<16xf32>
      %select_n3A_335 = arith.select %gt3A_332, %add3A_244, %broadcast_in_dim3A_334 : vector<16xi1>, vector<16xf32>
      %add3A_336 = arith.addf %scan3A_210, %select_n3A_335 : vector<16xf32>
      %jit3A_337 = arith.constant 0.000000e+00 : f32
      %broadcast_in_dim3A_338 = vector.broadcast %jit3A_337 : f32 to vector<16xf32>
      %select_n3A_339 = arith.select %gt3A_332, %get3A_235, %broadcast_in_dim3A_338 : vector<16xi1>, vector<16xf32>
      %add3A_340 = arith.addf %scan3A_224, %select_n3A_339 : vector<16xf32>
      %gt3A_341 = arith.constant 0.666666686 : f32
      %gt3A_342 = vector.broadcast %gt3A_341 : f32 to vector<16xf32>
      %gt3A_343 = arith.cmpf ogt, %get3A_235, %gt3A_342 : vector<16xf32>
      %jit3A_344 = arith.constant 0.000000e+00 : f32
      %broadcast_in_dim3A_345 = vector.broadcast %jit3A_344 : f32 to vector<16xf32>
      %select_n3A_346 = arith.select %gt3A_343, %add3A_244, %broadcast_in_dim3A_345 : vector<16xi1>, vector<16xf32>
      %add3A_347 = arith.addf %scan3A_211, %select_n3A_346 : vector<16xf32>
      %jit3A_348 = arith.constant 0.000000e+00 : f32
      %broadcast_in_dim3A_349 = vector.broadcast %jit3A_348 : f32 to vector<16xf32>
      %select_n3A_350 = arith.select %gt3A_343, %get3A_235, %broadcast_in_dim3A_349 : vector<16xi1>, vector<16xf32>
      %add3A_351 = arith.addf %scan3A_225, %select_n3A_350 : vector<16xf32>
      %gt3A_352 = arith.constant 0.733333349 : f32
      %gt3A_353 = vector.broadcast %gt3A_352 : f32 to vector<16xf32>
      %gt3A_354 = arith.cmpf ogt, %get3A_235, %gt3A_353 : vector<16xf32>
      %jit3A_355 = arith.constant 0.000000e+00 : f32
      %broadcast_in_dim3A_356 = vector.broadcast %jit3A_355 : f32 to vector<16xf32>
      %select_n3A_357 = arith.select %gt3A_354, %add3A_244, %broadcast_in_dim3A_356 : vector<16xi1>, vector<16xf32>
      %add3A_358 = arith.addf %scan3A_212, %select_n3A_357 : vector<16xf32>
      %jit3A_359 = arith.constant 0.000000e+00 : f32
      %broadcast_in_dim3A_360 = vector.broadcast %jit3A_359 : f32 to vector<16xf32>
      %select_n3A_361 = arith.select %gt3A_354, %get3A_235, %broadcast_in_dim3A_360 : vector<16xi1>, vector<16xf32>
      %add3A_362 = arith.addf %scan3A_226, %select_n3A_361 : vector<16xf32>
      %gt3A_363 = arith.constant 8.000000e-01 : f32
      %gt3A_364 = vector.broadcast %gt3A_363 : f32 to vector<16xf32>
      %gt3A_365 = arith.cmpf ogt, %get3A_235, %gt3A_364 : vector<16xf32>
      %jit3A_366 = arith.constant 0.000000e+00 : f32
      %broadcast_in_dim3A_367 = vector.broadcast %jit3A_366 : f32 to vector<16xf32>
      %select_n3A_368 = arith.select %gt3A_365, %add3A_244, %broadcast_in_dim3A_367 : vector<16xi1>, vector<16xf32>
      %add3A_369 = arith.addf %scan3A_213, %select_n3A_368 : vector<16xf32>
      %jit3A_370 = arith.constant 0.000000e+00 : f32
      %broadcast_in_dim3A_371 = vector.broadcast %jit3A_370 : f32 to vector<16xf32>
      %select_n3A_372 = arith.select %gt3A_365, %get3A_235, %broadcast_in_dim3A_371 : vector<16xi1>, vector<16xf32>
      %add3A_373 = arith.addf %scan3A_227, %select_n3A_372 : vector<16xf32>
      %gt3A_374 = arith.constant 0.866666674 : f32
      %gt3A_375 = vector.broadcast %gt3A_374 : f32 to vector<16xf32>
      %gt3A_376 = arith.cmpf ogt, %get3A_235, %gt3A_375 : vector<16xf32>
      %jit3A_377 = arith.constant 0.000000e+00 : f32
      %broadcast_in_dim3A_378 = vector.broadcast %jit3A_377 : f32 to vector<16xf32>
      %select_n3A_379 = arith.select %gt3A_376, %add3A_244, %broadcast_in_dim3A_378 : vector<16xi1>, vector<16xf32>
      %add3A_380 = arith.addf %scan3A_214, %select_n3A_379 : vector<16xf32>
      %jit3A_381 = arith.constant 0.000000e+00 : f32
      %broadcast_in_dim3A_382 = vector.broadcast %jit3A_381 : f32 to vector<16xf32>
      %select_n3A_383 = arith.select %gt3A_376, %get3A_235, %broadcast_in_dim3A_382 : vector<16xi1>, vector<16xf32>
      %add3A_384 = arith.addf %scan3A_228, %select_n3A_383 : vector<16xf32>
      %gt3A_385 = arith.constant 0.933333337 : f32
      %gt3A_386 = vector.broadcast %gt3A_385 : f32 to vector<16xf32>
      %gt3A_387 = arith.cmpf ogt, %get3A_235, %gt3A_386 : vector<16xf32>
      %jit3A_388 = arith.constant 0.000000e+00 : f32
      %broadcast_in_dim3A_389 = vector.broadcast %jit3A_388 : f32 to vector<16xf32>
      %select_n3A_390 = arith.select %gt3A_387, %add3A_244, %broadcast_in_dim3A_389 : vector<16xi1>, vector<16xf32>
      %add3A_391 = arith.addf %scan3A_215, %select_n3A_390 : vector<16xf32>
      %jit3A_392 = arith.constant 0.000000e+00 : f32
      %broadcast_in_dim3A_393 = vector.broadcast %jit3A_392 : f32 to vector<16xf32>
      %select_n3A_394 = arith.select %gt3A_387, %get3A_235, %broadcast_in_dim3A_393 : vector<16xi1>, vector<16xf32>
      %add3A_395 = arith.addf %scan3A_229, %select_n3A_394 : vector<16xf32>
      %add3A_396 = arith.addf %scan3A_230, %get3A_235 : vector<16xf32>
      %add3A_397 = arith.addf %scan3A_231, %get3A_238 : vector<16xf32>
      scf.yield %add3A_248, %add3A_259, %add3A_270, %add3A_281, %add3A_292, %add3A_303, %add3A_314, %add3A_325, %add3A_336, %add3A_347, %add3A_358, %add3A_369, %add3A_380, %add3A_391, %add3A_252, %add3A_263, %add3A_274, %add3A_285, %add3A_296, %add3A_307, %add3A_318, %add3A_329, %add3A_340, %add3A_351, %add3A_362, %add3A_373, %add3A_384, %add3A_395, %add3A_396, %add3A_397 : vector<16xf32>, vector<16xf32>, vector<16xf32>, vector<16xf32>, vector<16xf32>, vector<16xf32>, vector<16xf32>, vector<16xf32>, vector<16xf32>, vector<16xf32>, vector<16xf32>, vector<16xf32>, vector<16xf32>, vector<16xf32>, vector<16xf32>, vector<16xf32>, vector<16xf32>, vector<16xf32>, vector<16xf32>, vector<16xf32>, vector<16xf32>, vector<16xf32>, vector<16xf32>, vector<16xf32>, vector<16xf32>, vector<16xf32>, vector<16xf32>, vector<16xf32>, vector<16xf32>, vector<16xf32>
    }
    %scan3A_8 = arith.constant 2048 : i32
    %swap3A = arith.constant 0 : i32
    %swap3A_9 = arith.index_cast %swap3A : i32 to index
    %swap3A_10 = arith.constant 0 : index
    %swap3A_11 = tpu.vector_load %arg7[%swap3A_9, %swap3A_10] {strides = array<i32>} : memref<16x16xf32, #tpu.memory_space<vmem>>, vector<1x16xf32>,
    %swap3A_12 = vector.shape_cast %swap3A_11 : vector<1x16xf32> to vector<16xf32>
    %swap3A_13 = vector.shape_cast %scan3A_7#29 : vector<16xf32> to vector<1x16xf32>
    tpu.vector_store %arg7[%swap3A_9, %swap3A_10], %swap3A_13 {strides = array<i32>} : memref<16x16xf32, #tpu.memory_space<vmem>>, vector<1x16xf32>,
    %swap3A_14 = arith.constant 0 : i32
    %swap3A_15 = arith.index_cast %swap3A_14 : i32 to index
    %swap3A_16 = arith.constant 0 : index
    %swap3A_17 = tpu.vector_load %arg8[%swap3A_15, %swap3A_16] {strides = array<i32>} : memref<16x16xf32, #tpu.memory_space<vmem>>, vector<1x16xf32>,
    %swap3A_18 = vector.shape_cast %swap3A_17 : vector<1x16xf32> to vector<16xf32>
    %swap3A_19 = vector.shape_cast %scan3A_7#28 : vector<16xf32> to vector<1x16xf32>
    tpu.vector_store %arg8[%swap3A_15, %swap3A_16], %swap3A_19 {strides = array<i32>} : memref<16x16xf32, #tpu.memory_space<vmem>>, vector<1x16xf32>,
    %swap3A_20 = arith.constant 1 : i32
    %swap3A_21 = arith.index_cast %swap3A_20 : i32 to index
    %swap3A_22 = arith.constant 0 : index
    %swap3A_23 = tpu.vector_load %arg7[%swap3A_21, %swap3A_22] {strides = array<i32>} : memref<16x16xf32, #tpu.memory_space<vmem>>, vector<1x16xf32>,
    %swap3A_24 = vector.shape_cast %swap3A_23 : vector<1x16xf32> to vector<16xf32>
    %swap3A_25 = vector.shape_cast %scan3A_7#0 : vector<16xf32> to vector<1x16xf32>
    tpu.vector_store %arg7[%swap3A_21, %swap3A_22], %swap3A_25 {strides = array<i32>} : memref<16x16xf32, #tpu.memory_space<vmem>>, vector<1x16xf32>,
    %swap3A_26 = arith.constant 1 : i32
    %swap3A_27 = arith.index_cast %swap3A_26 : i32 to index
    %swap3A_28 = arith.constant 0 : index
    %swap3A_29 = tpu.vector_load %arg8[%swap3A_27, %swap3A_28] {strides = array<i32>} : memref<16x16xf32, #tpu.memory_space<vmem>>, vector<1x16xf32>,
    %swap3A_30 = vector.shape_cast %swap3A_29 : vector<1x16xf32> to vector<16xf32>
    %swap3A_31 = vector.shape_cast %scan3A_7#14 : vector<16xf32> to vector<1x16xf32>
    tpu.vector_store %arg8[%swap3A_27, %swap3A_28], %swap3A_31 {strides = array<i32>} : memref<16x16xf32, #tpu.memory_space<vmem>>, vector<1x16xf32>,
    %swap3A_32 = arith.constant 2 : i32
    %swap3A_33 = arith.index_cast %swap3A_32 : i32 to index
    %swap3A_34 = arith.constant 0 : index
    %swap3A_35 = tpu.vector_load %arg7[%swap3A_33, %swap3A_34] {strides = array<i32>} : memref<16x16xf32, #tpu.memory_space<vmem>>, vector<1x16xf32>,
    %swap3A_36 = vector.shape_cast %swap3A_35 : vector<1x16xf32> to vector<16xf32>
    %swap3A_37 = vector.shape_cast %scan3A_7#1 : vector<16xf32> to vector<1x16xf32>
    tpu.vector_store %arg7[%swap3A_33, %swap3A_34], %swap3A_37 {strides = array<i32>} : memref<16x16xf32, #tpu.memory_space<vmem>>, vector<1x16xf32>,
    %swap3A_38 = arith.constant 2 : i32
    %swap3A_39 = arith.index_cast %swap3A_38 : i32 to index
    %swap3A_40 = arith.constant 0 : index
    %swap3A_41 = tpu.vector_load %arg8[%swap3A_39, %swap3A_40] {strides = array<i32>} : memref<16x16xf32, #tpu.memory_space<vmem>>, vector<1x16xf32>,
    %swap3A_42 = vector.shape_cast %swap3A_41 : vector<1x16xf32> to vector<16xf32>
    %swap3A_43 = vector.shape_cast %scan3A_7#15 : vector<16xf32> to vector<1x16xf32>
    tpu.vector_store %arg8[%swap3A_39, %swap3A_40], %swap3A_43 {strides = array<i32>} : memref<16x16xf32, #tpu.memory_space<vmem>>, vector<1x16xf32>,
    %swap3A_44 = arith.constant 3 : i32
    %swap3A_45 = arith.index_cast %swap3A_44 : i32 to index
    %swap3A_46 = arith.constant 0 : index
    %swap3A_47 = tpu.vector_load %arg7[%swap3A_45, %swap3A_46] {strides = array<i32>} : memref<16x16xf32, #tpu.memory_space<vmem>>, vector<1x16xf32>,
    %swap3A_48 = vector.shape_cast %swap3A_47 : vector<1x16xf32> to vector<16xf32>
    %swap3A_49 = vector.shape_cast %scan3A_7#2 : vector<16xf32> to vector<1x16xf32>
    tpu.vector_store %arg7[%swap3A_45, %swap3A_46], %swap3A_49 {strides = array<i32>} : memref<16x16xf32, #tpu.memory_space<vmem>>, vector<1x16xf32>,
    %swap3A_50 = arith.constant 3 : i32
    %swap3A_51 = arith.index_cast %swap3A_50 : i32 to index
    %swap3A_52 = arith.constant 0 : index
    %swap3A_53 = tpu.vector_load %arg8[%swap3A_51, %swap3A_52] {strides = array<i32>} : memref<16x16xf32, #tpu.memory_space<vmem>>, vector<1x16xf32>,
    %swap3A_54 = vector.shape_cast %swap3A_53 : vector<1x16xf32> to vector<16xf32>
    %swap3A_55 = vector.shape_cast %scan3A_7#16 : vector<16xf32> to vector<1x16xf32>
    tpu.vector_store %arg8[%swap3A_51, %swap3A_52], %swap3A_55 {strides = array<i32>} : memref<16x16xf32, #tpu.memory_space<vmem>>, vector<1x16xf32>,
    %swap3A_56 = arith.constant 4 : i32
    %swap3A_57 = arith.index_cast %swap3A_56 : i32 to index
    %swap3A_58 = arith.constant 0 : index
    %swap3A_59 = tpu.vector_load %arg7[%swap3A_57, %swap3A_58] {strides = array<i32>} : memref<16x16xf32, #tpu.memory_space<vmem>>, vector<1x16xf32>,
    %swap3A_60 = vector.shape_cast %swap3A_59 : vector<1x16xf32> to vector<16xf32>
    %swap3A_61 = vector.shape_cast %scan3A_7#3 : vector<16xf32> to vector<1x16xf32>
    tpu.vector_store %arg7[%swap3A_57, %swap3A_58], %swap3A_61 {strides = array<i32>} : memref<16x16xf32, #tpu.memory_space<vmem>>, vector<1x16xf32>,
    %swap3A_62 = arith.constant 4 : i32
    %swap3A_63 = arith.index_cast %swap3A_62 : i32 to index
    %swap3A_64 = arith.constant 0 : index
    %swap3A_65 = tpu.vector_load %arg8[%swap3A_63, %swap3A_64] {strides = array<i32>} : memref<16x16xf32, #tpu.memory_space<vmem>>, vector<1x16xf32>,
    %swap3A_66 = vector.shape_cast %swap3A_65 : vector<1x16xf32> to vector<16xf32>
    %swap3A_67 = vector.shape_cast %scan3A_7#17 : vector<16xf32> to vector<1x16xf32>
    tpu.vector_store %arg8[%swap3A_63, %swap3A_64], %swap3A_67 {strides = array<i32>} : memref<16x16xf32, #tpu.memory_space<vmem>>, vector<1x16xf32>,
    %swap3A_68 = arith.constant 5 : i32
    %swap3A_69 = arith.index_cast %swap3A_68 : i32 to index
    %swap3A_70 = arith.constant 0 : index
    %swap3A_71 = tpu.vector_load %arg7[%swap3A_69, %swap3A_70] {strides = array<i32>} : memref<16x16xf32, #tpu.memory_space<vmem>>, vector<1x16xf32>,
    %swap3A_72 = vector.shape_cast %swap3A_71 : vector<1x16xf32> to vector<16xf32>
    %swap3A_73 = vector.shape_cast %scan3A_7#4 : vector<16xf32> to vector<1x16xf32>
    tpu.vector_store %arg7[%swap3A_69, %swap3A_70], %swap3A_73 {strides = array<i32>} : memref<16x16xf32, #tpu.memory_space<vmem>>, vector<1x16xf32>,
    %swap3A_74 = arith.constant 5 : i32
    %swap3A_75 = arith.index_cast %swap3A_74 : i32 to index
    %swap3A_76 = arith.constant 0 : index
    %swap3A_77 = tpu.vector_load %arg8[%swap3A_75, %swap3A_76] {strides = array<i32>} : memref<16x16xf32, #tpu.memory_space<vmem>>, vector<1x16xf32>,
    %swap3A_78 = vector.shape_cast %swap3A_77 : vector<1x16xf32> to vector<16xf32>
    %swap3A_79 = vector.shape_cast %scan3A_7#18 : vector<16xf32> to vector<1x16xf32>
    tpu.vector_store %arg8[%swap3A_75, %swap3A_76], %swap3A_79 {strides = array<i32>} : memref<16x16xf32, #tpu.memory_space<vmem>>, vector<1x16xf32>,
    %swap3A_80 = arith.constant 6 : i32
    %swap3A_81 = arith.index_cast %swap3A_80 : i32 to index
    %swap3A_82 = arith.constant 0 : index
    %swap3A_83 = tpu.vector_load %arg7[%swap3A_81, %swap3A_82] {strides = array<i32>} : memref<16x16xf32, #tpu.memory_space<vmem>>, vector<1x16xf32>,
    %swap3A_84 = vector.shape_cast %swap3A_83 : vector<1x16xf32> to vector<16xf32>
    %swap3A_85 = vector.shape_cast %scan3A_7#5 : vector<16xf32> to vector<1x16xf32>
    tpu.vector_store %arg7[%swap3A_81, %swap3A_82], %swap3A_85 {strides = array<i32>} : memref<16x16xf32, #tpu.memory_space<vmem>>, vector<1x16xf32>,
    %swap3A_86 = arith.constant 6 : i32
    %swap3A_87 = arith.index_cast %swap3A_86 : i32 to index
    %swap3A_88 = arith.constant 0 : index
    %swap3A_89 = tpu.vector_load %arg8[%swap3A_87, %swap3A_88] {strides = array<i32>} : memref<16x16xf32, #tpu.memory_space<vmem>>, vector<1x16xf32>,
    %swap3A_90 = vector.shape_cast %swap3A_89 : vector<1x16xf32> to vector<16xf32>
    %swap3A_91 = vector.shape_cast %scan3A_7#19 : vector<16xf32> to vector<1x16xf32>
    tpu.vector_store %arg8[%swap3A_87, %swap3A_88], %swap3A_91 {strides = array<i32>} : memref<16x16xf32, #tpu.memory_space<vmem>>, vector<1x16xf32>,
    %swap3A_92 = arith.constant 7 : i32
    %swap3A_93 = arith.index_cast %swap3A_92 : i32 to index
    %swap3A_94 = arith.constant 0 : index
    %swap3A_95 = tpu.vector_load %arg7[%swap3A_93, %swap3A_94] {strides = array<i32>} : memref<16x16xf32, #tpu.memory_space<vmem>>, vector<1x16xf32>,
    %swap3A_96 = vector.shape_cast %swap3A_95 : vector<1x16xf32> to vector<16xf32>
    %swap3A_97 = vector.shape_cast %scan3A_7#6 : vector<16xf32> to vector<1x16xf32>
    tpu.vector_store %arg7[%swap3A_93, %swap3A_94], %swap3A_97 {strides = array<i32>} : memref<16x16xf32, #tpu.memory_space<vmem>>, vector<1x16xf32>,
    %swap3A_98 = arith.constant 7 : i32
    %swap3A_99 = arith.index_cast %swap3A_98 : i32 to index
    %swap3A_100 = arith.constant 0 : index
    %swap3A_101 = tpu.vector_load %arg8[%swap3A_99, %swap3A_100] {strides = array<i32>} : memref<16x16xf32, #tpu.memory_space<vmem>>, vector<1x16xf32>,
    %swap3A_102 = vector.shape_cast %swap3A_101 : vector<1x16xf32> to vector<16xf32>
    %swap3A_103 = vector.shape_cast %scan3A_7#20 : vector<16xf32> to vector<1x16xf32>
    tpu.vector_store %arg8[%swap3A_99, %swap3A_100], %swap3A_103 {strides = array<i32>} : memref<16x16xf32, #tpu.memory_space<vmem>>, vector<1x16xf32>,
    %swap3A_104 = arith.constant 8 : i32
    %swap3A_105 = arith.index_cast %swap3A_104 : i32 to index
    %swap3A_106 = arith.constant 0 : index
    %swap3A_107 = tpu.vector_load %arg7[%swap3A_105, %swap3A_106] {strides = array<i32>} : memref<16x16xf32, #tpu.memory_space<vmem>>, vector<1x16xf32>,
    %swap3A_108 = vector.shape_cast %swap3A_107 : vector<1x16xf32> to vector<16xf32>
    %swap3A_109 = vector.shape_cast %scan3A_7#7 : vector<16xf32> to vector<1x16xf32>
    tpu.vector_store %arg7[%swap3A_105, %swap3A_106], %swap3A_109 {strides = array<i32>} : memref<16x16xf32, #tpu.memory_space<vmem>>, vector<1x16xf32>,
    %swap3A_110 = arith.constant 8 : i32
    %swap3A_111 = arith.index_cast %swap3A_110 : i32 to index
    %swap3A_112 = arith.constant 0 : index
    %swap3A_113 = tpu.vector_load %arg8[%swap3A_111, %swap3A_112] {strides = array<i32>} : memref<16x16xf32, #tpu.memory_space<vmem>>, vector<1x16xf32>,
    %swap3A_114 = vector.shape_cast %swap3A_113 : vector<1x16xf32> to vector<16xf32>
    %swap3A_115 = vector.shape_cast %scan3A_7#21 : vector<16xf32> to vector<1x16xf32>
    tpu.vector_store %arg8[%swap3A_111, %swap3A_112], %swap3A_115 {strides = array<i32>} : memref<16x16xf32, #tpu.memory_space<vmem>>, vector<1x16xf32>,
    %swap3A_116 = arith.constant 9 : i32
    %swap3A_117 = arith.index_cast %swap3A_116 : i32 to index
    %swap3A_118 = arith.constant 0 : index
    %swap3A_119 = tpu.vector_load %arg7[%swap3A_117, %swap3A_118] {strides = array<i32>} : memref<16x16xf32, #tpu.memory_space<vmem>>, vector<1x16xf32>,
    %swap3A_120 = vector.shape_cast %swap3A_119 : vector<1x16xf32> to vector<16xf32>
    %swap3A_121 = vector.shape_cast %scan3A_7#8 : vector<16xf32> to vector<1x16xf32>
    tpu.vector_store %arg7[%swap3A_117, %swap3A_118], %swap3A_121 {strides = array<i32>} : memref<16x16xf32, #tpu.memory_space<vmem>>, vector<1x16xf32>,
    %swap3A_122 = arith.constant 9 : i32
    %swap3A_123 = arith.index_cast %swap3A_122 : i32 to index
    %swap3A_124 = arith.constant 0 : index
    %swap3A_125 = tpu.vector_load %arg8[%swap3A_123, %swap3A_124] {strides = array<i32>} : memref<16x16xf32, #tpu.memory_space<vmem>>, vector<1x16xf32>,
    %swap3A_126 = vector.shape_cast %swap3A_125 : vector<1x16xf32> to vector<16xf32>
    %swap3A_127 = vector.shape_cast %scan3A_7#22 : vector<16xf32> to vector<1x16xf32>
    tpu.vector_store %arg8[%swap3A_123, %swap3A_124], %swap3A_127 {strides = array<i32>} : memref<16x16xf32, #tpu.memory_space<vmem>>, vector<1x16xf32>,
    %swap3A_128 = arith.constant 10 : i32
    %swap3A_129 = arith.index_cast %swap3A_128 : i32 to index
    %swap3A_130 = arith.constant 0 : index
    %swap3A_131 = tpu.vector_load %arg7[%swap3A_129, %swap3A_130] {strides = array<i32>} : memref<16x16xf32, #tpu.memory_space<vmem>>, vector<1x16xf32>,
    %swap3A_132 = vector.shape_cast %swap3A_131 : vector<1x16xf32> to vector<16xf32>
    %swap3A_133 = vector.shape_cast %scan3A_7#9 : vector<16xf32> to vector<1x16xf32>
    tpu.vector_store %arg7[%swap3A_129, %swap3A_130], %swap3A_133 {strides = array<i32>} : memref<16x16xf32, #tpu.memory_space<vmem>>, vector<1x16xf32>,
    %swap3A_134 = arith.constant 10 : i32
    %swap3A_135 = arith.index_cast %swap3A_134 : i32 to index
    %swap3A_136 = arith.constant 0 : index
    %swap3A_137 = tpu.vector_load %arg8[%swap3A_135, %swap3A_136] {strides = array<i32>} : memref<16x16xf32, #tpu.memory_space<vmem>>, vector<1x16xf32>,
    %swap3A_138 = vector.shape_cast %swap3A_137 : vector<1x16xf32> to vector<16xf32>
    %swap3A_139 = vector.shape_cast %scan3A_7#23 : vector<16xf32> to vector<1x16xf32>
    tpu.vector_store %arg8[%swap3A_135, %swap3A_136], %swap3A_139 {strides = array<i32>} : memref<16x16xf32, #tpu.memory_space<vmem>>, vector<1x16xf32>,
    %swap3A_140 = arith.constant 11 : i32
    %swap3A_141 = arith.index_cast %swap3A_140 : i32 to index
    %swap3A_142 = arith.constant 0 : index
    %swap3A_143 = tpu.vector_load %arg7[%swap3A_141, %swap3A_142] {strides = array<i32>} : memref<16x16xf32, #tpu.memory_space<vmem>>, vector<1x16xf32>,
    %swap3A_144 = vector.shape_cast %swap3A_143 : vector<1x16xf32> to vector<16xf32>
    %swap3A_145 = vector.shape_cast %scan3A_7#10 : vector<16xf32> to vector<1x16xf32>
    tpu.vector_store %arg7[%swap3A_141, %swap3A_142], %swap3A_145 {strides = array<i32>} : memref<16x16xf32, #tpu.memory_space<vmem>>, vector<1x16xf32>,
    %swap3A_146 = arith.constant 11 : i32
    %swap3A_147 = arith.index_cast %swap3A_146 : i32 to index
    %swap3A_148 = arith.constant 0 : index
    %swap3A_149 = tpu.vector_load %arg8[%swap3A_147, %swap3A_148] {strides = array<i32>} : memref<16x16xf32, #tpu.memory_space<vmem>>, vector<1x16xf32>,
    %swap3A_150 = vector.shape_cast %swap3A_149 : vector<1x16xf32> to vector<16xf32>
    %swap3A_151 = vector.shape_cast %scan3A_7#24 : vector<16xf32> to vector<1x16xf32>
    tpu.vector_store %arg8[%swap3A_147, %swap3A_148], %swap3A_151 {strides = array<i32>} : memref<16x16xf32, #tpu.memory_space<vmem>>, vector<1x16xf32>,
    %swap3A_152 = arith.constant 12 : i32
    %swap3A_153 = arith.index_cast %swap3A_152 : i32 to index
    %swap3A_154 = arith.constant 0 : index
    %swap3A_155 = tpu.vector_load %arg7[%swap3A_153, %swap3A_154] {strides = array<i32>} : memref<16x16xf32, #tpu.memory_space<vmem>>, vector<1x16xf32>,
    %swap3A_156 = vector.shape_cast %swap3A_155 : vector<1x16xf32> to vector<16xf32>
    %swap3A_157 = vector.shape_cast %scan3A_7#11 : vector<16xf32> to vector<1x16xf32>
    tpu.vector_store %arg7[%swap3A_153, %swap3A_154], %swap3A_157 {strides = array<i32>} : memref<16x16xf32, #tpu.memory_space<vmem>>, vector<1x16xf32>,
    %swap3A_158 = arith.constant 12 : i32
    %swap3A_159 = arith.index_cast %swap3A_158 : i32 to index
    %swap3A_160 = arith.constant 0 : index
    %swap3A_161 = tpu.vector_load %arg8[%swap3A_159, %swap3A_160] {strides = array<i32>} : memref<16x16xf32, #tpu.memory_space<vmem>>, vector<1x16xf32>,
    %swap3A_162 = vector.shape_cast %swap3A_161 : vector<1x16xf32> to vector<16xf32>
    %swap3A_163 = vector.shape_cast %scan3A_7#25 : vector<16xf32> to vector<1x16xf32>
    tpu.vector_store %arg8[%swap3A_159, %swap3A_160], %swap3A_163 {strides = array<i32>} : memref<16x16xf32, #tpu.memory_space<vmem>>, vector<1x16xf32>,
    %swap3A_164 = arith.constant 13 : i32
    %swap3A_165 = arith.index_cast %swap3A_164 : i32 to index
    %swap3A_166 = arith.constant 0 : index
    %swap3A_167 = tpu.vector_load %arg7[%swap3A_165, %swap3A_166] {strides = array<i32>} : memref<16x16xf32, #tpu.memory_space<vmem>>, vector<1x16xf32>,
    %swap3A_168 = vector.shape_cast %swap3A_167 : vector<1x16xf32> to vector<16xf32>
    %swap3A_169 = vector.shape_cast %scan3A_7#12 : vector<16xf32> to vector<1x16xf32>
    tpu.vector_store %arg7[%swap3A_165, %swap3A_166], %swap3A_169 {strides = array<i32>} : memref<16x16xf32, #tpu.memory_space<vmem>>, vector<1x16xf32>,
    %swap3A_170 = arith.constant 13 : i32
    %swap3A_171 = arith.index_cast %swap3A_170 : i32 to index
    %swap3A_172 = arith.constant 0 : index
    %swap3A_173 = tpu.vector_load %arg8[%swap3A_171, %swap3A_172] {strides = array<i32>} : memref<16x16xf32, #tpu.memory_space<vmem>>, vector<1x16xf32>,
    %swap3A_174 = vector.shape_cast %swap3A_173 : vector<1x16xf32> to vector<16xf32>
    %swap3A_175 = vector.shape_cast %scan3A_7#26 : vector<16xf32> to vector<1x16xf32>
    tpu.vector_store %arg8[%swap3A_171, %swap3A_172], %swap3A_175 {strides = array<i32>} : memref<16x16xf32, #tpu.memory_space<vmem>>, vector<1x16xf32>,
    %swap3A_176 = arith.constant 14 : i32
    %swap3A_177 = arith.index_cast %swap3A_176 : i32 to index
    %swap3A_178 = arith.constant 0 : index
    %swap3A_179 = tpu.vector_load %arg7[%swap3A_177, %swap3A_178] {strides = array<i32>} : memref<16x16xf32, #tpu.memory_space<vmem>>, vector<1x16xf32>,
    %swap3A_180 = vector.shape_cast %swap3A_179 : vector<1x16xf32> to vector<16xf32>
    %swap3A_181 = vector.shape_cast %scan3A_7#13 : vector<16xf32> to vector<1x16xf32>
    tpu.vector_store %arg7[%swap3A_177, %swap3A_178], %swap3A_181 {strides = array<i32>} : memref<16x16xf32, #tpu.memory_space<vmem>>, vector<1x16xf32>,
    %swap3A_182 = arith.constant 14 : i32
    %swap3A_183 = arith.index_cast %swap3A_182 : i32 to index
    %swap3A_184 = arith.constant 0 : index
    %swap3A_185 = tpu.vector_load %arg8[%swap3A_183, %swap3A_184] {strides = array<i32>} : memref<16x16xf32, #tpu.memory_space<vmem>>, vector<1x16xf32>,
    %swap3A_186 = vector.shape_cast %swap3A_185 : vector<1x16xf32> to vector<16xf32>
    %swap3A_187 = vector.shape_cast %scan3A_7#27 : vector<16xf32> to vector<1x16xf32>
    tpu.vector_store %arg8[%swap3A_183, %swap3A_184], %swap3A_187 {strides = array<i32>} : memref<16x16xf32, #tpu.memory_space<vmem>>, vector<1x16xf32>,
    %swap3A_188 = arith.constant 15 : i32
    %swap3A_189 = arith.index_cast %swap3A_188 : i32 to index
    %swap3A_190 = arith.constant 0 : index
    %swap3A_191 = tpu.vector_load %arg7[%swap3A_189, %swap3A_190] {strides = array<i32>} : memref<16x16xf32, #tpu.memory_space<vmem>>, vector<1x16xf32>,
    %swap3A_192 = vector.shape_cast %swap3A_191 : vector<1x16xf32> to vector<16xf32>
    %swap3A_193 = vector.shape_cast %broadcast_in_dim3A_3 : vector<16xf32> to vector<1x16xf32>
    tpu.vector_store %arg7[%swap3A_189, %swap3A_190], %swap3A_193 {strides = array<i32>} : memref<16x16xf32, #tpu.memory_space<vmem>>, vector<1x16xf32>,
    %swap3A_194 = arith.constant 15 : i32
    %swap3A_195 = arith.index_cast %swap3A_194 : i32 to index
    %swap3A_196 = arith.constant 0 : index
    %swap3A_197 = tpu.vector_load %arg8[%swap3A_195, %swap3A_196] {strides = array<i32>} : memref<16x16xf32, #tpu.memory_space<vmem>>, vector<1x16xf32>,
    %swap3A_198 = vector.shape_cast %swap3A_197 : vector<1x16xf32> to vector<16xf32>
    %swap3A_199 = vector.shape_cast %broadcast_in_dim3A_3 : vector<16xf32> to vector<1x16xf32>
    tpu.vector_store %arg8[%swap3A_195, %swap3A_196], %swap3A_199 {strides = array<i32>} : memref<16x16xf32, #tpu.memory_space<vmem>>, vector<1x16xf32>,
    %run_scoped3A = arith.constant 0 : i32
    "tpu.region"() ({
      %run_scoped3A_201 = tpu.sem_alloc : memref<!tpu.dma_semaphore, #tpu.memory_space<semaphore_mem>>
      %dma_start3A = arith.constant 0 : i32
      %dma_start3A_202 = arith.constant 0 : i32
      %dma_start3A_203 = tpu.memref_slice %arg4[%add3A, %run_scoped3A, %dma_start3A, %dma_start3A_202] : memref<32x2x16x16xf32, #tpu.memory_space<hbm>> -> memref<1x1x16x16xf32, #tpu.memory_space<hbm>>
      %dma_start3A_204 = tpu.memref_squeeze %dma_start3A_203 : memref<1x1x16x16xf32, #tpu.memory_space<hbm>> -> memref<16x16xf32, #tpu.memory_space<hbm>>
      %dma_start3A_205 = arith.constant 0 : i32
      %dma_start3A_206 = arith.constant 0 : i32
      %dma_start3A_207 = tpu.memref_slice %arg4[%add3A, %run_scoped3A, %dma_start3A_205, %dma_start3A_206] : memref<32x2x16x16xf32, #tpu.memory_space<hbm>> -> memref<1x1x16x16xf32, #tpu.memory_space<hbm>>
      %dma_start3A_208 = tpu.memref_squeeze %dma_start3A_207 : memref<1x1x16x16xf32, #tpu.memory_space<hbm>> -> memref<16x16xf32, #tpu.memory_space<hbm>>
      tpu.enqueue_dma source(%arg7 : memref<16x16xf32, #tpu.memory_space<vmem>>) target(%dma_start3A_208 : memref<16x16xf32, #tpu.memory_space<hbm>>) target_semaphore(%run_scoped3A_201 : memref<!tpu.dma_semaphore, #tpu.memory_space<semaphore_mem>>)
      %dma_wait3A = arith.constant 0 : i32
      %dma_wait3A_209 = arith.constant 0 : i32
      %dma_wait3A_210 = tpu.memref_slice %arg4[%add3A, %run_scoped3A, %dma_wait3A, %dma_wait3A_209] : memref<32x2x16x16xf32, #tpu.memory_space<hbm>> -> memref<1x1x16x16xf32, #tpu.memory_space<hbm>>
      %dma_wait3A_211 = tpu.memref_squeeze %dma_wait3A_210 : memref<1x1x16x16xf32, #tpu.memory_space<hbm>> -> memref<16x16xf32, #tpu.memory_space<hbm>>
      %dma_wait3A_212 = arith.constant 0 : i32
      %dma_wait3A_213 = arith.constant 0 : i32
      %dma_wait3A_214 = tpu.memref_slice %arg4[%add3A, %run_scoped3A, %dma_wait3A_212, %dma_wait3A_213] : memref<32x2x16x16xf32, #tpu.memory_space<hbm>> -> memref<1x1x16x16xf32, #tpu.memory_space<hbm>>
      %dma_wait3A_215 = tpu.memref_squeeze %dma_wait3A_214 : memref<1x1x16x16xf32, #tpu.memory_space<hbm>> -> memref<16x16xf32, #tpu.memory_space<hbm>>
      tpu.wait_dma2 semaphore(%run_scoped3A_201 : memref<!tpu.dma_semaphore, #tpu.memory_space<semaphore_mem>>) src(%arg7 : memref<16x16xf32, #tpu.memory_space<vmem>>) dst(%dma_wait3A_215 : memref<16x16xf32, #tpu.memory_space<hbm>>)
      tpu.yield
    }) : () -> ()
    %run_scoped3A_200 = arith.constant 1 : i32
    "tpu.region"() ({
      %run_scoped3A_201 = tpu.sem_alloc : memref<!tpu.dma_semaphore, #tpu.memory_space<semaphore_mem>>
      %dma_start3A = arith.constant 0 : i32
      %dma_start3A_202 = arith.constant 0 : i32
      %dma_start3A_203 = tpu.memref_slice %arg4[%add3A, %run_scoped3A_200, %dma_start3A, %dma_start3A_202] : memref<32x2x16x16xf32, #tpu.memory_space<hbm>> -> memref<1x1x16x16xf32, #tpu.memory_space<hbm>>
      %dma_start3A_204 = tpu.memref_squeeze %dma_start3A_203 : memref<1x1x16x16xf32, #tpu.memory_space<hbm>> -> memref<16x16xf32, #tpu.memory_space<hbm>>
      %dma_start3A_205 = arith.constant 0 : i32
      %dma_start3A_206 = arith.constant 0 : i32
      %dma_start3A_207 = tpu.memref_slice %arg4[%add3A, %run_scoped3A_200, %dma_start3A_205, %dma_start3A_206] : memref<32x2x16x16xf32, #tpu.memory_space<hbm>> -> memref<1x1x16x16xf32, #tpu.memory_space<hbm>>
      %dma_start3A_208 = tpu.memref_squeeze %dma_start3A_207 : memref<1x1x16x16xf32, #tpu.memory_space<hbm>> -> memref<16x16xf32, #tpu.memory_space<hbm>>
      tpu.enqueue_dma source(%arg8 : memref<16x16xf32, #tpu.memory_space<vmem>>) target(%dma_start3A_208 : memref<16x16xf32, #tpu.memory_space<hbm>>) target_semaphore(%run_scoped3A_201 : memref<!tpu.dma_semaphore, #tpu.memory_space<semaphore_mem>>)
      %dma_wait3A = arith.constant 0 : i32
      %dma_wait3A_209 = arith.constant 0 : i32
      %dma_wait3A_210 = tpu.memref_slice %arg4[%add3A, %run_scoped3A_200, %dma_wait3A, %dma_wait3A_209] : memref<32x2x16x16xf32, #tpu.memory_space<hbm>> -> memref<1x1x16x16xf32, #tpu.memory_space<hbm>>
      %dma_wait3A_211 = tpu.memref_squeeze %dma_wait3A_210 : memref<1x1x16x16xf32, #tpu.memory_space<hbm>> -> memref<16x16xf32, #tpu.memory_space<hbm>>
      %dma_wait3A_212 = arith.constant 0 : i32
      %dma_wait3A_213 = arith.constant 0 : i32
      %dma_wait3A_214 = tpu.memref_slice %arg4[%add3A, %run_scoped3A_200, %dma_wait3A_212, %dma_wait3A_213] : memref<32x2x16x16xf32, #tpu.memory_space<hbm>> -> memref<1x1x16x16xf32, #tpu.memory_space<hbm>>
      %dma_wait3A_215 = tpu.memref_squeeze %dma_wait3A_214 : memref<1x1x16x16xf32, #tpu.memory_space<hbm>> -> memref<16x16xf32, #tpu.memory_space<hbm>>
      tpu.wait_dma2 semaphore(%run_scoped3A_201 : memref<!tpu.dma_semaphore, #tpu.memory_space<semaphore_mem>>) src(%arg8 : memref<16x16xf32, #tpu.memory_space<vmem>>) dst(%dma_wait3A_215 : memref<16x16xf32, #tpu.memory_space<hbm>>)
      tpu.yield
    }) : () -> ()
    return
  }
}

module attributes {stable_mosaic.version = 14 : i64} {
  func.func @_tc_body(%arg0: i32, %arg1: memref<1x128x128x128xf32, #tpu.memory_space<vmem>>, %arg2: memref<1x128x128xi32, #tpu.memory_space<vmem>>, %arg3: memref<1x128x128xf32, #tpu.memory_space<vmem>>, %arg4: memref<1x128x128xf32, #tpu.memory_space<vmem>>) attributes {dimension_semantics = [#tpu.dimension_semantics<arbitrary>], iteration_bounds = array<i64: 64>, scalar_prefetch = 0 : i64, scratch_operands = 0 : i64, tpu.core_type = #tpu.core_type<tc>, window_params = [{transform_indices = @transform_0, window_bounds = array<i64: 1, 128, 128, 128>}, {transform_indices = @transform_1, window_bounds = array<i64: 1, 128, 128>}, {transform_indices = @transform_2, window_bounds = array<i64: 1, 128, 128>}, {transform_indices = @transform_3, window_bounds = array<i64: 1, 128, 128>}]} {
    %get3A = arith.constant 0 : index
    %get3A_0 = arith.constant 0 : index
    %get3A_1 = arith.constant 0 : index
    %get3A_2 = arith.constant 0 : index
    %get3A_3 = vector.load %arg1[%get3A, %get3A_0, %get3A_1, %get3A_2] : memref<1x128x128x128xf32, #tpu.memory_space<vmem>>, vector<1x128x128x128xf32>
    %get3A_4 = vector.shape_cast %get3A_3 : vector<1x128x128x128xf32> to vector<128x128x128xf32>
    %get3A_5 = arith.constant 0 : index
    %get3A_6 = arith.constant 0 : index
    %get3A_7 = arith.constant 0 : index
    %get3A_8 = vector.load %arg2[%get3A_5, %get3A_6, %get3A_7] : memref<1x128x128xi32, #tpu.memory_space<vmem>>, vector<1x128x128xi32>
    %get3A_9 = vector.shape_cast %get3A_8 : vector<1x128x128xi32> to vector<128x128xi32>
    %iota3A = tpu.iota {dimensions = array<i32: 2>} : vector<128x128x128xi32>
    %bitcast_convert_type3A = tpu.bitcast %get3A_4 : vector<128x128x128xf32> -> vector<128x128x128xi32>
    %and3A = arith.constant -128 : i32
    %and3A_10 = vector.broadcast %and3A : i32 to vector<128x128x128xi32>
    %and3A_11 = arith.andi %bitcast_convert_type3A, %and3A_10 : vector<128x128x128xi32>
    %sub3A = arith.constant 127 : i32
    %sub3A_12 = vector.broadcast %sub3A : i32 to vector<128x128x128xi32>
    %sub3A_13 = arith.subi %sub3A_12, %iota3A : vector<128x128x128xi32>
    %or3A = arith.ori %and3A_11, %sub3A_13 : vector<128x128x128xi32>
    %reduce_max3A = arith.constant dense<-2147483648> : vector<128x128xi32>
    %reduce_max3A_14 = vector.multi_reduction <maxsi>, %or3A, %reduce_max3A [2] : vector<128x128x128xi32> to vector<128x128xi32>
    %and3A_15 = arith.constant 127 : i32
    %and3A_16 = vector.broadcast %and3A_15 : i32 to vector<128x128xi32>
    %and3A_17 = arith.andi %reduce_max3A_14, %and3A_16 : vector<128x128xi32>
    %sub3A_18 = arith.constant 127 : i32
    %sub3A_19 = vector.broadcast %sub3A_18 : i32 to vector<128x128xi32>
    %sub3A_20 = arith.subi %sub3A_19, %and3A_17 : vector<128x128xi32>
    %eq3A = arith.cmpi eq, %sub3A_20, %get3A_9 : vector<128x128xi32>
    %jit3A = arith.constant 1.000000e+00 : f32
    %jit3A_21 = arith.constant 0.000000e+00 : f32
    %broadcast_in_dim3A = vector.broadcast %jit3A : f32 to vector<128x128xf32>
    %broadcast_in_dim3A_22 = vector.broadcast %jit3A_21 : f32 to vector<128x128xf32>
    %select_n3A = arith.select %eq3A, %broadcast_in_dim3A, %broadcast_in_dim3A_22 : vector<128x128xi1>, vector<128x128xf32>
    %swap3A = arith.constant 0 : index
    %swap3A_23 = arith.constant 0 : index
    %swap3A_24 = arith.constant 0 : index
    %swap3A_25 = vector.load %arg4[%swap3A, %swap3A_23, %swap3A_24] : memref<1x128x128xf32, #tpu.memory_space<vmem>>, vector<1x128x128xf32>
    %swap3A_26 = vector.shape_cast %swap3A_25 : vector<1x128x128xf32> to vector<128x128xf32>
    %swap3A_27 = vector.shape_cast %select_n3A : vector<128x128xf32> to vector<1x128x128xf32>
    tpu.vector_store %arg4[%swap3A, %swap3A_23, %swap3A_24], %swap3A_27 {strides = array<i32>} : memref<1x128x128xf32, #tpu.memory_space<vmem>>, vector<1x128x128xf32>,
    %and3A_28 = arith.constant -128 : i32
    %and3A_29 = vector.broadcast %and3A_28 : i32 to vector<128x128xi32>
    %and3A_30 = arith.andi %reduce_max3A_14, %and3A_29 : vector<128x128xi32>
    %or3A_31 = arith.constant 64 : i32
    %or3A_32 = vector.broadcast %or3A_31 : i32 to vector<128x128xi32>
    %or3A_33 = arith.ori %and3A_30, %or3A_32 : vector<128x128xi32>
    %bitcast_convert_type3A_34 = tpu.bitcast %or3A_33 : vector<128x128xi32> -> vector<128x128xf32>
    %swap3A_35 = arith.constant 0 : index
    %swap3A_36 = arith.constant 0 : index
    %swap3A_37 = arith.constant 0 : index
    %swap3A_38 = vector.load %arg3[%swap3A_35, %swap3A_36, %swap3A_37] : memref<1x128x128xf32, #tpu.memory_space<vmem>>, vector<1x128x128xf32>
    %swap3A_39 = vector.shape_cast %swap3A_38 : vector<1x128x128xf32> to vector<128x128xf32>
    %swap3A_40 = vector.shape_cast %bitcast_convert_type3A_34 : vector<128x128xf32> to vector<1x128x128xf32>
    tpu.vector_store %arg3[%swap3A_35, %swap3A_36, %swap3A_37], %swap3A_40 {strides = array<i32>} : memref<1x128x128xf32, #tpu.memory_space<vmem>>, vector<1x128x128xf32>,
    return
  }
  func.func @transform_0(%arg0: i32) -> (i32, i32, i32, i32) {
    %c0_i32 = arith.constant 0 : i32
    %c0_i32_0 = arith.constant 0 : i32
    %c0_i32_1 = arith.constant 0 : i32
    %c0_i32_2 = arith.constant 0 : i32
    return %arg0, %c0_i32, %c0_i32_0, %c0_i32_1 : i32, i32, i32, i32
  }
  func.func @transform_1(%arg0: i32) -> (i32, i32, i32) {
    %c0_i32 = arith.constant 0 : i32
    %c0_i32_0 = arith.constant 0 : i32
    %c0_i32_1 = arith.constant 0 : i32
    return %arg0, %c0_i32, %c0_i32_0 : i32, i32, i32
  }
  func.func @transform_2(%arg0: i32) -> (i32, i32, i32) {
    %c0_i32 = arith.constant 0 : i32
    %c0_i32_0 = arith.constant 0 : i32
    %c0_i32_1 = arith.constant 0 : i32
    return %arg0, %c0_i32, %c0_i32_0 : i32, i32, i32
  }
  func.func @transform_3(%arg0: i32) -> (i32, i32, i32) {
    %c0_i32 = arith.constant 0 : i32
    %c0_i32_0 = arith.constant 0 : i32
    %c0_i32_1 = arith.constant 0 : i32
    return %arg0, %c0_i32, %c0_i32_0 : i32, i32, i32
  }
}

</mosaic_0001>

<sc_bundles>
// kernel: kernel.4.cloned.1.call-start
scs
__scs_entry_jumppad:
0x0: {  	(pc) =	sbr.rel $0x88, $3  }
0x1: {  	(tag) =	ssettag $0x0;
	lr =	simm.s32 $0x1  }
0x2: {  	[smem:$0x3F9F] =	sst lr;
	_ =	strace $0xD0000000  }
0x3: {  	_ = 	snop  }
0x4: {  	_ = 	snop  }
0x5: {  	_ = 	snop  }
0x6: {  	_ = 	snop  }
0x7: {  	_ = 	snop  }
__scs_overlays_trampoline_lowered:
0x8: {  	[smem:$0x3FAE] =	sst s0  }
0x9: {  	[smem:$0x3FAF] =	sst s1  }
0xa: {  	[smem:$0x3FB0] =	sst s2  }
0xb: {  	[smem:$0x3FB1] =	sst s3  }
0xc: {  	[smem:$0x3FB2] =	sst s4  }
0xd: {  	[smem:$0x3FB3] =	sst s5  }
0xe: {  	[smem:$0x3FB4] =	sst s6  }
0xf: {  	[smem:$0x3FB5] =	sst s7  }
0x10: {  	[smem:$0x3FB6] =	sst s8  }
0x11: {  	[smem:$0x3FB7] =	sst s9;
	s0 =	simm.s32 @!p0 $0x0  }
0x12: {  	s1 =	sld [smem:$0x3F9D];
	s0 =	simm.s32 @p0 $0x1  }
0x13: {  	[smem:$0x3FB8] =	sst s0;
	s0 =	simm.s32 @!p1 $0x0  }
0x14: {  	s2 =	sld [smem:$0x3F9C];
	s0 =	simm.s32 @p1 $0x1  }
0x15: {  	[smem:$0x3FB9] =	sst s0;
	s0 =	simm.s32 @!p2 $0x0  }
0x16: {  	s3 =	sld [smem:$0x3FDB];
	s0 =	simm.s32 @p2 $0x1  }
0x17: {  	s4 =	simm.s32 $0x1BF5;
	[smem:$0x3FBB] =	sst s0  }
0x18: {  	s0 =	sld [smem:$0x3F9E];
	_ =	swait.ge [sflag:s4], $0x0  }
0x19: {  	s7 =	sld [smem:$0x3F9F]  }
0x1a: {  	s8 =	sadd.s32 $0xFFFFE003, lr  }
0x1b: {  	s9 =	sadd.s32 $0xFFFFFEF7, lr;
	s5 =	simm.s32 $0xFFFFFFFF;
	p2 =	slt.u32 s8, $0xFFFFF086  }
0x1c: {  	p1 =	slt.u32 s9, $0xF7A;
	s5 =	simm.s32 @!p2 $0x0  }
0x1d: {  	s5 =	simm.s32 @p1 $0x1;
	p0 =	seq.s32 s7, s2  }
0x1e: {  	s7 =	smul.u32 @!p0 $0xF7A, s2;
	p2 =	seq.s32 @!p0 s5, $0x0  }
0x1f: {  	s9 =	smul.u32 $0xF7A, s1;
	s8 =	simm.s32 @!p0 $0x1BF5;
	p2 =	por !p2, p0  }
0x20: {  	[sflag:s8] =	ssyncset.s32 @!p0 $0xFFFFF086;
	s6 =	sadd.s32 @!p0 s3, s7;
	s7 =	simm.s32 @!p0 $0x108  }
0x21: {  	s3 =	sadd.s32 s3, s9;
	s6 =	sadd.s32 @!p0 $0x88, s6;
	s7 =	simm.s32 @p2 $0x1082  }
0x22: {  	[simem:s7], [sflag:s8] =	dma.local @!p0 [hbm:s6], $0xF7A  }
0x23: {  	s9 =	sor.u32 $0xD0000000, s2;
	s6 =	simm.s32 $0x108;
	_ =	swait.ge @!p0 [sflag:s8], $0x0  }
0x24: {  	s3 =	sadd.s32 $0x88, s3;
	s6 =	simm.s32 @!p1 $0x1082;
	[sflag:s4] =	ssyncset.s32 $0xFFFFF086  }
0x25: {  	[simem:s6], [sflag:s4] =	dma.local [hbm:s3], $0xF7A  }
0x26: {  	[smem:$0x3F9F] =	sst s1;
	(tag) =	ssettag s2;
	_ =	strace s9  }
0x27: {  	s1 =	sld [smem:$0x3FAF]  }
0x28: {  	s2 =	sld [smem:$0x3FB0]  }
0x29: {  	s4 =	sld [smem:$0x3FB2]  }
0x2a: {  	p0 =	seq.s32 s5, $0x0;
	s5 =	sld [smem:$0x3FB3]  }
0x2b: {  	s6 =	sld [smem:$0x3FB4]  }
0x2c: {  	s7 =	sld [smem:$0x3FB5]  }
0x2d: {  	s3 =	simm.s32 $0x108;
	s8 =	sld [smem:$0x3FB6]  }
0x2e: {  	s3 =	simm.s32 @!p0 $0x1082;
	s9 =	sld [smem:$0x3FB7]  }
0x2f: {  	lr =	sadd.s32 s0, s3;
	s0 =	sld [smem:$0x3FAE]  }
0x30: {  	s3 =	sld [smem:$0x3FB1]  }
0x31: {  	[smem:$0x3FBA] =	sst s10  }
0x32: {  	s10 =	sld [smem:$0x3FB8];
	_ =	sdelay $0x3  }
0x33: {  	p0 =	seq.s32 s10, $0x1;
	s10 =	sld [smem:$0x3FBA];
	_ =	sdelay $0x3  }
0x34: {  	[smem:$0x3FBA] =	sst s10  }
0x35: {  	s10 =	sld [smem:$0x3FB9];
	_ =	sdelay $0x3  }
0x36: {  	p1 =	seq.s32 s10, $0x1;
	s10 =	sld [smem:$0x3FBA];
	_ =	sdelay $0x3  }
0x37: {  	[smem:$0x3FBA] =	sst s10  }
0x38: {  	s10 =	sld [smem:$0x3FBB]  }
0x39: {  	_ = 	snop;
	(pc) =	sbr.ind lr, $3  }
0x3a: {  	_ = 	snop  }
0x3b: {  	_ = 	snop  }
0x3c: {  	p2 =	seq.s32 s10, $0x1;
	s10 =	sld [smem:$0x3FBA]  }
0x3d: {  	_ =	shalt  }
0x3e: {  	_ =	shalt  }
0x3f: {  	_ =	shalt  }
0x40: {  	_ =	shalt  }
0x41: {  	_ =	shalt  }
0x42: {  	_ =	shalt  }
0x43: {  	_ =	shalt  }
0x44: {  	_ =	shalt  }
0x45: {  	_ =	shalt  }
0x46: {  	_ =	shalt  }
0x47: {  	_ =	shalt  }
0x48: {  	_ =	shalt  }
0x49: {  	_ =	shalt  }
0x4a: {  	_ =	shalt  }
0x4b: {  	_ =	shalt  }
0x4c: {  	_ =	shalt  }
0x4d: {  	_ =	shalt  }
0x4e: {  	_ =	shalt  }
0x4f: {  	_ =	shalt  }
0x50: {  	_ =	shalt  }
0x51: {  	_ =	shalt  }
0x52: {  	_ =	shalt  }
0x53: {  	_ =	shalt  }
0x54: {  	_ =	shalt  }
0x55: {  	_ =	shalt  }
0x56: {  	_ =	shalt  }
0x57: {  	_ =	shalt  }
0x58: {  	_ =	shalt  }
0x59: {  	_ =	shalt  }
0x5a: {  	_ =	shalt  }
0x5b: {  	_ =	shalt  }
0x5c: {  	_ =	shalt  }
0x5d: {  	_ =	shalt  }
0x5e: {  	_ =	shalt  }
0x5f: {  	_ =	shalt  }
0x60: {  	_ =	shalt  }
0x61: {  	_ =	shalt  }
0x62: {  	_ =	shalt  }
0x63: {  	_ =	shalt  }
0x64: {  	_ =	shalt  }
0x65: {  	_ =	shalt  }
0x66: {  	_ =	shalt  }
0x67: {  	_ =	shalt  }
0x68: {  	_ =	shalt  }
0x69: {  	_ =	shalt  }
0x6a: {  	_ =	shalt  }
0x6b: {  	_ =	shalt  }
0x6c: {  	_ =	shalt  }
0x6d: {  	_ =	shalt  }
0x6e: {  	_ =	shalt  }
0x6f: {  	_ =	shalt  }
0x70: {  	_ =	shalt  }
0x71: {  	_ =	shalt  }
0x72: {  	_ =	shalt  }
0x73: {  	_ =	shalt  }
0x74: {  	_ =	shalt  }
0x75: {  	_ =	shalt  }
0x76: {  	_ =	shalt  }
0x77: {  	_ =	shalt  }
0x78: {  	_ =	shalt  }
0x79: {  	_ =	shalt  }
0x7a: {  	_ =	shalt  }
0x7b: {  	_ =	shalt  }
0x7c: {  	_ =	shalt  }
0x7d: {  	_ =	shalt  }
0x7e: {  	_ =	shalt  }
0x7f: {  	_ =	shalt  }
0x80: {  	_ =	shalt  }
0x81: {  	_ =	shalt  }
0x82: {  	_ =	shalt  }
0x83: {  	_ =	shalt  }
0x84: {  	_ =	shalt  }
0x85: {  	_ =	shalt  }
0x86: {  	_ =	shalt  }
0x87: {  	_ =	shalt  }
.Lfunc_end0:
.L_simem_size_0:
called_computation_lowered:
.L_overlay_start_0:
0x88: {  	s2 =	sld [smem:$0x3FD9]  }
0x89: {  	s3 =	sld [smem:$0x3FFE];
	_ =	sdelay $0x1  }
0x8a: {  	s1 =	srdreg.scid  }
0x8b: {  	s0 =	sand.u32 $0x1, s1  }
0x8c: {  	s16 =	sshll.u32 s0, $0xA;
	s2 =	sadd.s32 s3, s2  }
0x8d: {  	s2 =	sadd.s32 s2, s16  }
0x8e: {  	[smem:$0x3FC6] =	sst s2  }
0x8f: {  	_ = 	snop  }
0x90: {  	(tm) =	ssettm $0x1  }
0x91: {  	s17 =	sld [smem:$0x3FFB];
	_ =	sdelay $0x3  }
0x92: {  	_ =	strace s17  }
0x93: {  	s2 =	sld [smem:$0x3FFC];
	_ =	sdelay $0x3  }
0x94: {  	_ =	strace s2  }
0x95: {  	s2 =	sld [smem:$0x3FFD];
	_ =	sdelay $0x3  }
0x96: {  	_ =	strace s2  }
0x97: {  	_ =	strace $0x8FFFFFFF  }
0x98: {  	s18 =	sld [smem:$0x3FDB];
	_ =	sdelay $0x1  }
0x99: {  	s19 =	simm.s32 $_scs_section_size  }
0x9a: {  	s4 =	simm.s32 $_size__tile_overlayer_lowered;
	s5 =	simm.s32 $_tile_overlayer_lowered  }
0x9b: {  	s22 =	simm.s32 $0x1BFF;
	s21 =	sshll.u32 s5, $0x1;
	s2 =	sadd.s32 s19, s18  }
0x9c: {  	s6 =	simm.s32 $0x0;
	s20 =	sshll.u32 s4, $0x1;
	s4 =	sadd.s32 s21, s2  }
0x9d: {  	[timem:s6], [sflag:s22] =	dma.local [hbm:s4], s20  }
0x9e: {  	_ =	swait.ge [sflag:s22], s20  }
0x9f: {  	s3 =	ssub.s32 $0x0, s20;
	[sflag:s22] =	ssyncset.done $0x0  }
0xa0: {  	[sflag:s22] =	ssyncadd.s32 s3;
	_ =	sdelay $0x1  }
0xa1: {  	s23 =	simm.s32 $0x1B8B  }
0xa2: {  	_ =	swait.ge [sflag:s23], $0x1  }
0xa3: {  	[sflag:s23] =	ssyncset.done $0x0  }
0xa4: {  	s25 =	simm.s32 $0x1B8E;
	s24 =	sld [smem:$0x3FFE];
	[sflag:s23] =	ssyncadd.s32 $0xFFFFFFFF  }
0xa5: {  	s26 =	simm.s32 $execute0_lowered;
	[smem:$0x3FD2] =	sst s25  }
0xa6: {  	s4 =	sshll.u32 s26, $0x1;
	_ =	strace $0x80000046;
	[dreg:$0x1] =	wrdreg $0xFFFFFFFF  }
0xa7: {  	s28 =	simm.s32 $_size_execute0_lowered;
	s2 =	sadd.s32 s2, s4;
	[dreg:$0x0] =	wrdreg $0x0  }
0xa8: {  	s4 =	sshll.u32 s28, $0x1;
	[dreg:$0x2] =	wrdreg s2  }
0xa9: {  	[dreg:$0x3] =	wrdreg s4  }
0xaa: {  	[dreg:$0x4] =	wrdreg $0xC0  }
0xab: {  	_ =	task [dreg:s6], $0x5FFFF  }
0xac: {  	[dreg:$0x1] =	wrdreg $0xFFFFFFFF  }
0xad: {  	[dreg:$0x0] =	wrdreg $0x60  }
0xae: {  	[dreg:$0x2] =	wrdreg s24  }
0xaf: {  	[dreg:$0x3] =	wrdreg $0x9  }
0xb0: {  	_ =	task.clear_ibuf [dreg:s6], $0x4FFFF;
	_ =	strace $0x90000046  }
0xb1: {  	s29 =	simm.s32 $0x9;
	_ =	strace $0x80000048  }
0xb2: {  	_ =	swait.ge [sflag:s29], $0x1  }
0xb3: {  	[sflag:s29] =	ssyncadd.s32 $0xFFFFFFFF  }
0xb4: {  	_ =	strace $0x90000048  }
0xb5: {  	_ =	sfence  }
0xb6: {  	s30 =	sld [smem:$0x0];
	_ =	sdelay $0x2  }
0xb7: {  	s31 =	sshll.u32 s1, $0xD;
	s1 =	sshrl.u32 s1, $0x2  }
0xb8: {  	s3 =	sand.u32 $0x4000, s31;
	s1 =	sadd.s32 s1, s30  }
0xb9: {  	s0 =	sor.u32 s3, s0;
	s1 =	sshll.u32 s1, $0x11  }
0xba: {  	s0 =	sor.u32 s1, s0  }
0xbb: {  	s0 =	sadd.s32 $0x8F2B, s0  }
0xbc: {  	[sflag:s0] =	ssyncadd.remote.s32 $0x1  }
0xbd: {  	_ =	sfence.sel $0xFFFF  }
0xbe: {  	[dreg:$0x0] =	wrdreg $0xFFFFFFFF;
	(pc) =	sbr.abs _section_cstart, $3  }
0xbf: {  	[dreg:$0x1] =	wrdreg $0xFFFFFFFF  }
0xc0: {  	_ =	task.clear_ibuf [dreg:s6], $0x2FFFF;
	_ =	strace $0x9FFFFFFF  }
0xc1: {  	(tm) =	ssettm $0x7FFFFFFF  }
tec
execute0_lowered:
.L_overlay_start_1:
0x0: {  	(tag) =	ssettag $0x1  }
0x1: {  	s3 =	rddreg [dreg:$0x0]  }
0x2: {  	s0 =	rddreg [dreg:$0x1]  }
0x3: {  	s2 =	simm.s32 $0x0;
	s4 =	srdreg.scid;
	s1 =	stileid.u32  }
0x4: {  	s8 =	simm.s32 $0x1;
	s9 =	simm.s32 $0x8000;
	s10 =	simm.s32 $0x10000  }
0x5: {  	s11 =	simm.s32 $0x10800;
	s4 =	sand.u32 $0x1, s4;
	s5 =	sshll.u32 s1, $0x1  }
0x6: {  	s12 =	simm.s32 $0x0;
	[smem:$0x7FF] =	sst s2;
	s5 =	sor.u32 s4, s5  }
0x7: {  	s4 =	ssub.s32 $0x2, s4;
	s6 =	sshll.u32 s5, $0x9;
	s5 =	sshll.u32 s5, $0xC  }
0x8: {  	s7 =	sshrl.u32 s4, $0x1;
	s6 =	sadd.s32 s6, s3;
	s3 =	sadd.s32 s3, s5  }
0x9: {  	_ =	strace $0x80000047;
	s7 =	ssub.s32 s4, s7;
	s4 =	sadd.s32 $0x20000, s3  }
0xa: {  	v0 =	vimm.f32 $0.0e+00;
	s5 =	sadd.s32 $0x40000, s6;
	s6 =	sadd.s32 $0x40100, s6;
	s7 =	smax.u32 s7, $0x1  }
.LBB2_1:
0xb: {  	[tilespmem:s2], [sflag:$0x1] =	stream.linear.gather [hbm4b:s3+s2], $0x8000, $0x38;
	[tilespmem:$0x11000] =	vst v63  }
0xc: {  	_ =	swait.ge [sflag:s8], $0x8000  }
0xd: {  	[sflag:s8] =	ssyncset.done $0x0  }
0xe: {  	[sflag:s8] =	ssyncadd.s32 $0xFFFF8000  }
0xf: {  	[tilespmem:s9], [sflag:$0x1] =	stream.linear.gather [hbm4b:s4+s2], $0x8000, $0x38;
	[tilespmem:$0x11000] =	vst v63  }
0x10: {  	_ =	swait.ge [sflag:s8], $0x8000  }
0x11: {  	[sflag:s8] =	ssyncset.done $0x0  }
0x12: {  	s13 =	simm.s32 $0x0;
	[sflag:s8] =	ssyncadd.s32 $0xFFFF8000  }
0x13: {  	v2 =	vld [tilespmem:s13+$0x8000]  }
0x14: {  	v17 =	vimm.f32 $0.0e+00;
	v1 =	vld [tilespmem:s13+$0x0]  }
0x15: {  	v29 =	vimm.f32 $0.0e+00;
	v33 =	vimm.f32 $0.0e+00;
	v26 =	vimm.f32 $0.0e+00  }
0x16: {  	v22 =	vimm.f32 $0.0e+00;
	v21 =	vimm.f32 $0.0e+00;
	v15 =	vimm.f32 $0.0e+00  }
0x17: {  	v30 =	vimm.f32 $0.0e+00;
	v27 =	vimm.f32 $0.0e+00;
	v31 =	vimm.f32 $0.0e+00  }
0x18: {  	v28 =	vimm.f32 $0.0e+00;
	v23 =	vimm.f32 $0.0e+00;
	v3 =	vmul.f32 $2.441406250e-04, v2  }
0x19: {  	v7 =	vadd.f32 v2, v0;
	vm3 =	vgt.f32 v1, $5.333333610e-01;
	v8 =	vadd.f32 v1, v0  }
0x1a: {  	vm4 =	vgt.f32 v1, $1.333333400e-01;
	vm0 =	vgt.f32 v1, $6.000000240e-01;
	vm5 =	vgt.f32 v1, $7.333333490e-01  }
0x1b: {  	vm6 =	vgt.f32 v1, $6.666667010e-02;
	vm7 =	vgt.f32 v1, $9.333333370e-01;
	vm8 =	vgt.f32 v1, $2.666666810e-01  }
0x1c: {  	vm1 =	vgt.f32 v1, $3.333333430e-01;
	vm2 =	vgt.f32 v1, $4.666666690e-01;
	vm9 =	vgt.f32 v1, $6.666666860e-01  }
0x1d: {  	vm10 =	vgt.f32 v1, $4.000000060e-01;
	v10 =	vnsel vm3, $0x0, v1;
	v12 =	vnsel vm4, $0x0, v1  }
0x1e: {  	v13 =	vnsel vm5, $0x0, v1;
	v35 =	vnsel vm6, $0x0, v1;
	v34 =	vnsel vm2, $0x0, v1  }
0x1f: {  	v38 =	vnsel vm9, $0x0, v1;
	v37 =	vnsel vm10, $0x0, v1;
	v4 =	vadd.f32 $1.000000000e+00, v3  }
0x20: {  	v3 =	vnsel vm7, $0x0, v1;
	v19 =	vadd.f32 v12, v0;
	v18 =	vadd.f32 v10, v0  }
0x21: {  	v2 =	vnsel vm4, $0x0, v4;
	v9 =	vnsel vm8, $0x0, v4;
	v6 =	vnsel vm5, $0x0, v4  }
0x22: {  	v32 =	vnsel vm9, $0x0, v4;
	v12 =	vnsel vm6, $0x0, v4;
	vm4 =	vgt.f32 v1, $2.000000030e-01  }
0x23: {  	v14 =	vnsel vm0, $0x0, v4;
	v36 =	vnsel vm10, $0x0, v4;
	vm5 =	vgt.f32 v1, $8.000000110e-01  }
0x24: {  	v11 =	vadd.f32 v2, v0;
	v2 =	vnsel vm3, $0x0, v4;
	v6 =	vadd.f32 v6, v0  }
0x25: {  	v16 =	vadd.f32 v9, v0;
	v9 =	vnsel vm8, $0x0, v1;
	v24 =	vadd.f32 v12, v0  }
0x26: {  	v12 =	vadd.f32 v14, v0;
	v14 =	vnsel vm5, $0x0, v4;
	vm3 =	vgt.f32 v1, $8.666666740e-01  }
0x27: {  	v39 =	vnsel vm5, $0x0, v1;
	v5 =	vadd.f32 v2, v0;
	v2 =	vadd.f32 v3, v0  }
0x28: {  	v3 =	vnsel vm7, $0x0, v4;
	v20 =	vadd.f32 v9, v0;
	v9 =	vnsel vm4, $0x0, v4  }
0x29: {  	v10 =	vadd.f32 v14, v0;
	v14 =	vimm.f32 $0.0e+00;
	v3 =	vadd.f32 v3, v0  }
0x2a: {  	s13 =	simm.s32 $0x40;
	v25 =	vadd.f32 v9, v0;
	v9 =	vadd.f32 v13, v0;
	v13 =	vimm.f32 $0.0e+00  }
.LBB2_2:
0x2b: {  	s14 =	sshra.s32 s13, $0x2;
	p0 =	sne.s32 s13, $0x1FFC0;
	s13 =	sadd.s32 $0x40, s13;
	v40 =	vnsel vm4, $0x0, v1;
	v17 =	vadd.f32 v38, v17;
	v38 =	vnsel vm3, $0x0, v1  }
0x2c: {  	v14 =	vadd.f32 v39, v14;
	v39 =	vnsel vm3, $0x0, v4;
	v41 =	vld [tilespmem:s14+$0x8000];
	v29 =	vadd.f32 v40, v29  }
0x2d: {  	v33 =	vadd.f32 v35, v33;
	v35 =	vnsel vm1, $0x0, v4;
	v13 =	vadd.f32 v39, v13  }
0x2e: {  	v26 =	vadd.f32 v36, v26;
	v4 =	vnsel vm2, $0x0, v4;
	v22 =	vadd.f32 v34, v22;
	v39 =	vld [tilespmem:s14+$0x0]  }
0x2f: {  	v34 =	vnsel vm1, $0x0, v1;
	v21 =	vadd.f32 v32, v21;
	v15 =	vadd.f32 v38, v15  }
0x30: {  	v27 =	vadd.f32 v37, v27;
	v1 =	vnsel vm0, $0x0, v1;
	v30 =	vadd.f32 v35, v30  }
0x31: {  	v31 =	vadd.f32 v34, v31;
	v32 =	vmul.f32 $2.441406250e-04, v41;
	v7 =	vadd.f32 v41, v7  }
0x32: {  	v28 =	vadd.f32 v4, v28;
	v23 =	vadd.f32 v1, v23  }
0x33: {  	v4 =	vadd.f32 $1.000000000e+00, v32;
	vm4 =	vgt.f32 v39, $5.333333610e-01;
	v8 =	vadd.f32 v39, v8;
	v1 =	vmovc v39  }
0x34: {  	vm6 =	vgt.f32 v1, $1.333333400e-01;
	vm0 =	vgt.f32 v1, $6.000000240e-01;
	vm7 =	vgt.f32 v1, $7.333333490e-01  }
0x35: {  	vm3 =	vgt.f32 v1, $6.666667010e-02;
	vm8 =	vgt.f32 v1, $9.333333370e-01;
	v32 =	vnsel vm6, $0x0, v4  }
0x36: {  	vm9 =	vgt.f32 v1, $2.666666810e-01;
	vm1 =	vgt.f32 v1, $3.333333430e-01;
	v34 =	vnsel vm8, $0x0, v1  }
0x37: {  	vm2 =	vgt.f32 v1, $4.666666690e-01;
	v11 =	vadd.f32 v32, v11;
	v32 =	vnsel vm4, $0x0, v4  }
0x38: {  	vm5 =	vgt.f32 v1, $6.666666860e-01;
	v2 =	vadd.f32 v34, v2;
	v5 =	vadd.f32 v32, v5  }
0x39: {  	vm10 =	vgt.f32 v1, $4.000000060e-01;
	v39 =	vnsel vm4, $0x0, v1;
	v32 =	vnsel vm8, $0x0, v4  }
0x3a: {  	v35 =	vnsel vm7, $0x0, v4;
	v34 =	vnsel vm9, $0x0, v4;
	v3 =	vadd.f32 v32, v3  }
0x3b: {  	v40 =	vnsel vm7, $0x0, v1;
	v6 =	vadd.f32 v35, v6;
	v32 =	vnsel vm6, $0x0, v1  }
0x3c: {  	v35 =	vnsel vm3, $0x0, v1;
	v19 =	vadd.f32 v32, v19;
	v32 =	vnsel vm5, $0x0, v4  }
0x3d: {  	v36 =	vnsel vm9, $0x0, v1;
	v16 =	vadd.f32 v34, v16;
	v34 =	vnsel vm2, $0x0, v1  }
0x3e: {  	v37 =	vnsel vm3, $0x0, v4;
	v41 =	vnsel vm0, $0x0, v4;
	vm4 =	vgt.f32 v1, $2.000000030e-01  }
.Ltmp0:
0x3f: {  	v20 =	vadd.f32 v36, v20;
	v36 =	vnsel vm10, $0x0, v4;
	vm6 =	vgt.f32 v1, $8.000000110e-01;
	(pc) =	sbr.rel @p0 .LBB2_2-.Ltmp0, $4  }
0x40: {  	v38 =	vnsel vm5, $0x0, v1;
	v24 =	vadd.f32 v37, v24;
	v42 =	vnsel vm4, $0x0, v4  }
0x41: {  	v37 =	vnsel vm10, $0x0, v1;
	v12 =	vadd.f32 v41, v12;
	v41 =	vnsel vm6, $0x0, v4  }
0x42: {  	v9 =	vadd.f32 v40, v9;
	vm3 =	vgt.f32 v1, $8.666666740e-01;
	v25 =	vadd.f32 v42, v25  }
0x43: {  	v18 =	vadd.f32 v39, v18;
	v39 =	vnsel vm6, $0x0, v1;
	v10 =	vadd.f32 v41, v10  }
0x44: {  	[tilespmem:$0x10000] =	vst v7  }
0x45: {  	[tilespmem:$0x10800] =	vst v8  }
0x46: {  	[tilespmem:$0x10080] =	vst v24  }
0x47: {  	[tilespmem:$0x10100] =	vst v11  }
0x48: {  	[tilespmem:$0x10900] =	vst v19  }
0x49: {  	[tilespmem:$0x10180] =	vst v25  }
0x4a: {  	[tilespmem:$0x10200] =	vst v16  }
0x4b: {  	[tilespmem:$0x10A00] =	vst v20  }
0x4c: {  	[tilespmem:$0x10400] =	vst v5  }
0x4d: {  	[tilespmem:$0x10480] =	vst v12  }
0x4e: {  	[tilespmem:$0x10580] =	vst v6  }
0x4f: {  	[tilespmem:$0x10D80] =	vst v9  }
0x50: {  	[tilespmem:$0x10700] =	vst v3  }
0x51: {  	[tilespmem:$0x10F00] =	vst v2  }
0x52: {  	[tilespmem:$0x10780] =	vst v0  }
0x53: {  	[tilespmem:$0x10F80] =	vst v0  }
0x54: {  	v49 =	vadd.f32 v35, v33;
	[tilespmem:$0x10C00] =	vst v18  }
0x55: {  	v53 =	vadd.f32 v36, v26;
	[tilespmem:$0x10600] =	vst v10  }
0x56: {  	v55 =	vadd.f32 v37, v27;
	[tilespmem:$0x10880] =	vst v49  }
0x57: {  	v57 =	vadd.f32 v34, v22;
	[tilespmem:$0x10300] =	vst v53  }
0x58: {  	v60 =	vadd.f32 v32, v21;
	[tilespmem:$0x10B00] =	vst v55  }
0x59: {  	v61 =	vadd.f32 v38, v17;
	[tilespmem:$0x10B80] =	vst v57  }
0x5a: {  	v50 =	vnsel vm4, $0x0, v1;
	v62 =	vadd.f32 v39, v14;
	[tilespmem:$0x10500] =	vst v60  }
0x5b: {  	v51 =	vnsel vm1, $0x0, v4;
	v7 =	vadd.f32 v50, v29;
	[tilespmem:$0x10D00] =	vst v61  }
0x5c: {  	v54 =	vnsel vm2, $0x0, v4;
	v8 =	vadd.f32 v51, v30;
	[tilespmem:$0x10E00] =	vst v62  }
0x5d: {  	v58 =	vnsel vm0, $0x0, v1;
	v56 =	vadd.f32 v54, v28;
	[tilespmem:$0x10980] =	vst v7  }
0x5e: {  	v63 =	vnsel vm3, $0x0, v4;
	v59 =	vadd.f32 v58, v23;
	[tilespmem:$0x10280] =	vst v8  }
0x5f: {  	v52 =	vnsel vm1, $0x0, v1;
	v1 =	vnsel vm3, $0x0, v1;
	v4 =	vadd.f32 v63, v13;
	[tilespmem:$0x10380] =	vst v56  }
0x60: {  	v1 =	vadd.f32 v1, v15;
	[tilespmem:$0x10C80] =	vst v59  }
0x61: {  	v7 =	vadd.f32 v52, v31;
	[tilespmem:$0x10680] =	vst v4  }
0x62: {  	[tilespmem:$0x10E80] =	vst v1  }
0x63: {  	[tilespmem:$0x10A80] =	vst v7  }
0x64: {  	[hbm4b:s5+s2] =	stream.linear.scatter [tilespmem:s10], [sflag:$0x1], $0x800, $0x38;
	[tilespmem:$0x11000] =	vst v63  }
0x65: {  	s12 =	sadd.s32 $0x1, s12;
	_ =	swait.ge [sflag:s8], $0x800  }
0x66: {  	p0 =	sne.s32 s12, s7;
	[sflag:s8] =	ssyncset.done $0x0  }
.Ltmp1:
0x67: {  	[sflag:s8] =	ssyncadd.s32 $0xFFFFF800;
	(pc) =	sbr.rel @p0 .LBB2_1-.Ltmp1, $4  }
0x68: {  	[hbm4b:s6+s2] =	stream.linear.scatter [tilespmem:s11], [sflag:$0x1], $0x800, $0x38;
	[tilespmem:$0x11000] =	vst v63  }
0x69: {  	_ =	swait.ge [sflag:s8], $0x800  }
0x6a: {  	[sflag:s8] =	ssyncset.done $0x0  }
0x6b: {  	[sflag:s8] =	ssyncadd.s32 $0xFFFFF800  }
0x6c: {  	_ =	sfence.sel $0x180000  }
0x6d: {  	[bflag:$0x0] =	sbarrier.arrive $0xFFFF  }
0x6e: {  	p0 =	sne.s32 s1, $0x0;
	_ =	strace $0x90000047  }
0x6f: {  	s0 =	sadd.s32 @!p0 $0x100000, s0;
	[bflag:$0x2] =	sbarrier.arrive $0xFFFF  }
0x70: {  	[sflag:s0] =	ssyncadd.tile.s32 @!p0 $0x1;
	_ =	shalt  }
.Lfunc_end2:
_tile_overlayer_lowered:
.L_overlay_start_2:
0x71: {  	(tag) =	ssettag $0x2  }
0x72: {  	s0 =	rddreg [dreg:$0x0];
	s2 =	stileid.u32  }
0x73: {  	s1 =	rddreg [dreg:$0x1];
	p0 =	sne.s32 s2, $0x0  }
0x74: {  	s3 =	rddreg [dreg:$0x2];
	[bflag:$0x3] =	sbarrier.arrive $0xFFFF;
	s2 =	simm.s32 @!p0 $0x1C01  }
0x75: {  	[timem:s3], [sflag:s2] =	dma.local @!p0 [hbm:s0], s1  }
0x76: {  	s0 =	simm.s32 @!p0 $0x1  }
0x77: {  	_ =	swait.ge @!p0 [sflag:s0], s1  }
0x78: {  	s1 =	ssub.s32 @!p0 $0x0, s1;
	[sflag:s0] =	ssyncset.done @!p0 $0x0  }
0x79: {  	[sflag:s0] =	ssyncadd.s32 @!p0 s1  }
0x7a: {  	[bflag:$0x3] =	sbarrier.arrive $0xFFFF  }
0x7b: {  	_ =	shalt  }

</sc_bundles>
